<compile_context>
chip_gen: v7x
topology: tpu7x:2x2x1
jax: 0.10.2.dev20260603
libtpu: 0.0.44.dev20260713+nightly
codegen_flags: <defaults>
</compile_context>

<pallas_src>
import jax
import jax.numpy as jnp
from jax import lax
from jax.experimental import pallas as pl
from jax.experimental.pallas import tpu as pltpu
from jax.experimental.pallas import tpu_sc as plsc

N_NODES = 10000
N_EDGES = 320000
D = 128
SLOPE = 0.2

NC = 2
NS = 16
L = 16
NW = NC * NS
CHUNK = 48
N_CHUNKS = 209
E_TILE = CHUNK * N_CHUNKS
E_PAD = E_TILE * NW
NGRP = CHUNK // L
ROW_OFF = 624
ROW_SPAN = 640
DEN_BLK = 400



def _z_body(d_ref, me_ref, nt_ref, wd_ref, wme_ref, z_ref):
    zd = lax.dot_general(d_ref[...], wd_ref[...], (((1,), (1,)), ((), ())),
                         preferred_element_type=jnp.float32)
    zme = lax.dot_general(me_ref[...], wme_ref[...], (((1,), (1,)), ((), ())),
                          preferred_element_type=jnp.float32)
    mask = nt_ref[...] == 1
    z_ref[...] = jnp.where(mask, zd, zme)


def _project(d_sim, me_sim, node_type, Wd, Wme):
    blk = 1000
    grid = (N_NODES // blk,)
    return pl.pallas_call(
        _z_body,
        grid=grid,
        in_specs=[
            pl.BlockSpec((blk, D), lambda i: (i, 0)),
            pl.BlockSpec((blk, D), lambda i: (i, 0)),
            pl.BlockSpec((blk, 1), lambda i: (i, 0)),
            pl.BlockSpec((D, D), lambda i: (0, 0)),
            pl.BlockSpec((D, D), lambda i: (0, 0)),
        ],
        out_specs=pl.BlockSpec((blk, D), lambda i: (i, 0)),
        out_shape=jax.ShapeDtypeStruct((N_NODES, D), jnp.float32),
    )(d_sim, me_sim, node_type.reshape(N_NODES, 1), Wd, Wme)



def _edge_body(z_hbm, src_hbm, dst_hbm, num_out, den_out,
               zs_v, zd_v, wz_v, sidx_v, didx_v, wb_v, zden_v,
               num_sh, den_sh, g_sem, s_sem, i_sem):
    cid = lax.axis_index("c")
    sid = lax.axis_index("s")

    def _zero_row(r, _):
        for f in range(D // L):
            wz_v[0, r, pl.ds(f * L, L)] = jnp.zeros((L,), jnp.float32)
        return _
    lax.fori_loop(0, CHUNK, _zero_row, 0)

    def _zero_den_buf(g, _):
        zden_v[pl.ds(g * L, L)] = jnp.zeros((L,), jnp.float32)
        return _
    lax.fori_loop(0, DEN_BLK // L, _zero_den_buf, 0)

    row0 = pl.multiple_of(sid * ROW_OFF, 8)

    def _zero_sh(k, _):
        pltpu.sync_copy(wz_v.at[0], num_sh.at[pl.ds(row0 + k * CHUNK, CHUNK)])
        return _
    lax.fori_loop(0, ROW_SPAN // CHUNK, _zero_sh, 0)

    @pl.when(sid == 0)
    def _():
        def _zero_den(j, _):
            pltpu.sync_copy(zden_v, den_sh.at[pl.ds(j * DEN_BLK, DEN_BLK)])
            return _
        lax.fori_loop(0, N_NODES // DEN_BLK, _zero_den, 0)

    plsc.subcore_barrier()

    tile_base = pl.multiple_of((cid * NS + sid) * E_TILE, 8)

    def _issue_idx(c, ring):
        base = pl.multiple_of(tile_base + c * CHUNK, 8)
        pltpu.async_copy(src_hbm.at[pl.ds(base, CHUNK)], sidx_v.at[ring], i_sem)
        pltpu.async_copy(dst_hbm.at[pl.ds(base, CHUNK)], didx_v.at[ring], i_sem)

    def _drain(sem, dst):
        pltpu.make_async_copy(z_hbm.at[pl.ds(0, CHUNK)], dst, sem).wait()

    def _drain_small(sem, dst):
        pltpu.make_async_copy(den_out.at[0, pl.ds(0, CHUNK)], dst, sem).wait()

    pltpu.sync_copy(src_hbm.at[pl.ds(tile_base, CHUNK)], sidx_v.at[0])
    pltpu.sync_copy(dst_hbm.at[pl.ds(tile_base, CHUNK)], didx_v.at[0])
    _issue_idx(1, 1)
    pltpu.async_copy(z_hbm.at[sidx_v.at[0]], zs_v.at[0], g_sem)
    pltpu.async_copy(z_hbm.at[didx_v.at[0]], zd_v.at[0], g_sem)

    def _step(c, _):
        p3 = lax.rem(c, 3)
        p2 = lax.rem(c, 2)
        p4 = lax.rem(c, 4)

        @pl.when(c < N_CHUNKS - 1)
        def _():
            n3 = lax.rem(c + 1, 3)
            n2 = lax.rem(c + 1, 2)
            n4 = lax.rem(c + 1, 4)
            _drain_small(i_sem, sidx_v.at[n4])
            _drain_small(i_sem, didx_v.at[n4])

            @pl.when(c >= 2)
            def _():
                _drain(s_sem, wz_v.at[n3])
                _drain_small(s_sem, wb_v.at[n3])

            pltpu.async_copy(z_hbm.at[sidx_v.at[n4]], zs_v.at[n2], g_sem)
            pltpu.async_copy(z_hbm.at[didx_v.at[n4]], zd_v.at[n2], g_sem)

            @pl.when(c + 2 < N_CHUNKS)
            def _():
                _issue_idx(c + 2, lax.rem(c + 2, 4))

        _drain(g_sem, zs_v.at[p2])
        _drain(g_sem, zd_v.at[p2])

        base_e = tile_base + c * CHUNK
        lane = lax.iota(jnp.int32, L)

        @plsc.parallel_loop(0, CHUNK, unroll=2)
        def _edge(r):
            vs = [zs_v[p2, r, pl.ds(f * L, L)] for f in range(D // L)]
            vd = [zd_v[p2, r, pl.ds(f * L, L)] for f in range(D // L)]
            pr = [a * b for a, b in zip(vs, vd)]
            s01 = (pr[0] + pr[1]) + (pr[2] + pr[3])
            s23 = (pr[4] + pr[5]) + (pr[6] + pr[7])
            s = jnp.sum(s01 + s23)
            s = jnp.maximum(s, s * SLOPE)
            m = jnp.where(base_e + r < N_EDGES, 1.0, 0.0)
            wvb = jnp.exp(jnp.broadcast_to(s, (L,))) * m
            for f in range(D // L):
                wz_v[p3, r, pl.ds(f * L, L)] = vs[f] * wvb
            plsc.store_scatter(wb_v.at[p3], [jnp.broadcast_to(r, (L,))],
                               wvb, mask=lane == 0)

        pltpu.async_copy(wz_v.at[p3], num_sh.at[didx_v.at[p4]], s_sem, add=True)
        pltpu.async_copy(wb_v.at[p3], den_sh.at[didx_v.at[p4]], s_sem, add=True)
        return 0

    lax.fori_loop(0, N_CHUNKS, _step, 0)

    for c in (N_CHUNKS - 2, N_CHUNKS - 1):
        _drain(s_sem, wz_v.at[c % 3])
        _drain_small(s_sem, wb_v.at[c % 3])

    plsc.subcore_barrier()

    pltpu.sync_copy(num_sh.at[pl.ds(row0, ROW_SPAN)],
                    num_out.at[cid, pl.ds(row0, ROW_SPAN)])

    @pl.when(sid == 0)
    def _():
        pltpu.sync_copy(den_sh, den_out.at[cid])


def _edge_pass(z, src, dst):
    mesh = plsc.VectorSubcoreMesh(core_axis_name="c", subcore_axis_name="s",
                                  num_cores=NC, num_subcores=NS)
    return pl.kernel(
        _edge_body,
        out_type=[
            jax.ShapeDtypeStruct((NC, N_NODES, D), jnp.float32),
            jax.ShapeDtypeStruct((NC, N_NODES), jnp.float32),
        ],
        mesh=mesh,
        compiler_params=pltpu.CompilerParams(needs_layout_passes=False),
        scratch_types=[
            pltpu.VMEM((2, CHUNK, D), jnp.float32),
            pltpu.VMEM((2, CHUNK, D), jnp.float32),
            pltpu.VMEM((3, CHUNK, D), jnp.float32),
            pltpu.VMEM((4, CHUNK), jnp.int32),
            pltpu.VMEM((4, CHUNK), jnp.int32),
            pltpu.VMEM((3, CHUNK), jnp.float32),
            pltpu.VMEM((DEN_BLK,), jnp.float32),
            pltpu.VMEM_SHARED((N_NODES, D), jnp.float32),
            pltpu.VMEM_SHARED((N_NODES,), jnp.float32),
            pltpu.SemaphoreType.DMA,
            pltpu.SemaphoreType.DMA,
            pltpu.SemaphoreType.DMA,
        ],
    )(z, src, dst)



def _final_body(num_ref, den_ref, h_ref):
    n = num_ref[0] + num_ref[1]
    d = den_ref[:, 0:1] + den_ref[:, 1:2]
    d = jnp.where(d > 0.0, d, 1.0)
    h = n / d
    h_ref[...] = jnp.where(h > 0.0, h, jnp.exp(jnp.minimum(h, 0.0)) - 1.0)


def _finalize(num2, den2):
    blk = 2000
    grid = (N_NODES // blk,)
    return pl.pallas_call(
        _final_body,
        grid=grid,
        in_specs=[
            pl.BlockSpec((NC, blk, D), lambda i: (0, i, 0)),
            pl.BlockSpec((blk, NC), lambda i: (i, 0)),
        ],
        out_specs=pl.BlockSpec((blk, D), lambda i: (i, 0)),
        out_shape=jax.ShapeDtypeStruct((N_NODES, D), jnp.float32),
    )(num2, den2.T)


def kernel(d_sim, me_sim, node_type, edge_index, Wd, Wme):
    z = _project(d_sim, me_sim, node_type.astype(jnp.int32), Wd, Wme)
    pad = E_PAD - N_EDGES
    src = jnp.pad(edge_index[0], (0, pad))
    dst = jnp.pad(edge_index[1], (0, pad))
    num2, den2 = _edge_pass(z, src, dst)
    return _finalize(num2, den2)

# --- scband reference (transcript-rebuilt; emitter-appended) ---
"""Pipeline reference for scband-gatlayer-20770461843679 (READ-ONLY COPY).

The authoritative reference and input builder live on the scoring server;
editing this copy changes nothing except your own understanding.
"""

import jax, jax.numpy as jnp
import numpy as np

N_NODES = 10000
N_EDGES = 320000
D_IN = 128
D_ATTN = 128
SLOPE = 0.2


def setup_inputs(seed: int = 0) -> dict:
    key = jax.random.key(seed)
    k1, k2, k3, k4, k5, k6 = jax.random.split(key, 6)
    d_sim = jax.random.normal(k1, (N_NODES, D_IN), dtype=jnp.float32)
    me_sim = jax.random.normal(k2, (N_NODES, D_IN), dtype=jnp.float32)
    node_type = jax.random.randint(k3, (N_NODES,), 0, 2, dtype=jnp.int64) if jax.config.read('jax_enable_x64') else jax.random.randint(k3, (N_NODES,), 0, 2, dtype=jnp.int32)
    edge_index = jax.random.randint(k4, (2, N_EDGES), 0, N_NODES, dtype=jnp.int32)
    # learned params: d_fc.weight [D_ATTN, D_IN], me_fc.weight [D_ATTN, D_IN] (no bias)
    Wd = jax.random.normal(k5, (D_ATTN, D_IN), dtype=jnp.float32) * 0.05
    Wme = jax.random.normal(k6, (D_ATTN, D_IN), dtype=jnp.float32) * 0.05
    return {"d_sim": d_sim, "me_sim": me_sim, "node_type": node_type, "edge_index": edge_index, "Wd": Wd, "Wme": Wme}


def reference(d_sim, me_sim, node_type, edge_index, Wd, Wme):
    # apply_nodes: disease nodes (type==1) use d_fc(d_sim), metabolite (type==0) use me_fc(me_sim)
    # dropout p=0.0 -> identity (eval)
    z_d = d_sim @ Wd.T
    z_me = me_sim @ Wme.T
    z = jnp.where((node_type == 1)[:, None], z_d, z_me)
    src = edge_index[0]
    dst = edge_index[1]
    # edge_attention: e = leaky_relu(sum(z_src * z_dst))
    e = jnp.sum(z[src] * z[dst], axis=1)
    e = jax.nn.leaky_relu(e, negative_slope=SLOPE)
    # reduce: softmax of e over incoming edges per dst node, weighted sum of z_src
    m = jax.ops.segment_max(e, dst, num_segments=N_NODES)
    m = jnp.where(jnp.isfinite(m), m, 0.0)
    e_exp = jnp.exp(e - m[dst])
    denom = jax.ops.segment_sum(e_exp, dst, num_segments=N_NODES)
    denom_safe = jnp.where(denom > 0, denom, 1.0)
    alpha = e_exp / denom_safe[dst]
    h = jax.ops.segment_sum(alpha[:, None] * z[src], dst, num_segments=N_NODES)
    # DGL zero-degree nodes keep zero h; elu(0)=0 so applying elu everywhere is faithful
    return jax.nn.elu(h)

if __name__ == "__main__":
    import jax
    _d = setup_inputs()
    print(jax.jit(kernel)(*tuple(_d.values())))

</pallas_src>

<mosaic_0001>
#map = affine_map<(d0, d1) -> (0, 0)>
#map1 = affine_map<(d0, d1) -> (0)>
#map2 = affine_map<(d0, d1) -> (0, 0, 0)>
module attributes {stable_mosaic.version = 14 : i64} {
  func.func @_edge_body(%arg0: i32, %arg1: i32, %arg2: memref<10000x128xf32, #tpu.memory_space<hbm>>, %arg3: memref<321024xi32, #tpu.memory_space<hbm>>, %arg4: memref<321024xi32, #tpu.memory_space<hbm>>, %arg5: memref<2x10000x128xf32, #tpu.memory_space<hbm>>, %arg6: memref<2x10000xf32, #tpu.memory_space<hbm>>, %arg7: memref<2x48x128xf32, #tpu.memory_space<vmem>>, %arg8: memref<2x48x128xf32, #tpu.memory_space<vmem>>, %arg9: memref<3x48x128xf32, #tpu.memory_space<vmem>>, %arg10: memref<4x48xi32, #tpu.memory_space<vmem>>, %arg11: memref<4x48xi32, #tpu.memory_space<vmem>>, %arg12: memref<3x48xf32, #tpu.memory_space<vmem>>, %arg13: memref<400xf32, #tpu.memory_space<vmem>>, %arg14: memref<10000x128xf32, #tpu.memory_space<vmem_shared>>, %arg15: memref<10000xf32, #tpu.memory_space<vmem_shared>>, %arg16: memref<!tpu.dma_semaphore, #tpu.memory_space<semaphore_mem>>, %arg17: memref<!tpu.dma_semaphore, #tpu.memory_space<semaphore_mem>>, %arg18: memref<!tpu.dma_semaphore, #tpu.memory_space<semaphore_mem>>) attributes {dimension_semantics = [#tpu.dimension_semantics<core_parallel>, #tpu.dimension_semantics<subcore_parallel>], iteration_bounds = array<i64: 2, 16>, scalar_prefetch = 0 : i64, scratch_operands = 12 : i64, tpu.core_type = #tpu.core_type<sc_vector_subcore>, window_params = [{transform_indices = #map}, {transform_indices = #map1}, {transform_indices = #map1}, {transform_indices = #map2}, {transform_indices = #map}]} {
    %scan3A = arith.constant 0 : i32
    %scan3A_0 = arith.constant 0 : i32
    %scan3A_1 = arith.constant 48 : i32
    %scan3A_2 = arith.addi %scan3A_0, %scan3A_1 : i32
    %scan3A_3 = arith.constant 1 : i32
    scf.for %scan3A_140 = %scan3A_0 to %scan3A_2 step %scan3A_3  : i32 {
      %broadcast_in_dim3A = arith.constant 0.000000e+00 : f32
      %broadcast_in_dim3A_141 = vector.broadcast %broadcast_in_dim3A : f32 to vector<16xf32>
      %swap3A = arith.constant 0 : i32
      %swap3A_142 = arith.index_cast %swap3A : i32 to index
      %swap3A_143 = arith.index_cast %scan3A_140 : i32 to index
      %swap3A_144 = arith.constant 0 : index
      %swap3A_145 = tpu.vector_load %arg9[%swap3A_142, %swap3A_143, %swap3A_144] {strides = array<i32>} : memref<3x48x128xf32, #tpu.memory_space<vmem>>, vector<16xf32>,
      tpu.vector_store %arg9[%swap3A_142, %swap3A_143, %swap3A_144], %broadcast_in_dim3A_141 {strides = array<i32>} : memref<3x48x128xf32, #tpu.memory_space<vmem>>, vector<16xf32>,
      %broadcast_in_dim3A_146 = arith.constant 0.000000e+00 : f32
      %broadcast_in_dim3A_147 = vector.broadcast %broadcast_in_dim3A_146 : f32 to vector<16xf32>
      %swap3A_148 = arith.constant 0 : i32
      %swap3A_149 = arith.index_cast %swap3A_148 : i32 to index
      %swap3A_150 = arith.index_cast %scan3A_140 : i32 to index
      %swap3A_151 = arith.constant 16 : index
      %swap3A_152 = tpu.vector_load %arg9[%swap3A_149, %swap3A_150, %swap3A_151] {strides = array<i32>} : memref<3x48x128xf32, #tpu.memory_space<vmem>>, vector<16xf32>,
      tpu.vector_store %arg9[%swap3A_149, %swap3A_150, %swap3A_151], %broadcast_in_dim3A_147 {strides = array<i32>} : memref<3x48x128xf32, #tpu.memory_space<vmem>>, vector<16xf32>,
      %broadcast_in_dim3A_153 = arith.constant 0.000000e+00 : f32
      %broadcast_in_dim3A_154 = vector.broadcast %broadcast_in_dim3A_153 : f32 to vector<16xf32>
      %swap3A_155 = arith.constant 0 : i32
      %swap3A_156 = arith.index_cast %swap3A_155 : i32 to index
      %swap3A_157 = arith.index_cast %scan3A_140 : i32 to index
      %swap3A_158 = arith.constant 32 : index
      %swap3A_159 = tpu.vector_load %arg9[%swap3A_156, %swap3A_157, %swap3A_158] {strides = array<i32>} : memref<3x48x128xf32, #tpu.memory_space<vmem>>, vector<16xf32>,
      tpu.vector_store %arg9[%swap3A_156, %swap3A_157, %swap3A_158], %broadcast_in_dim3A_154 {strides = array<i32>} : memref<3x48x128xf32, #tpu.memory_space<vmem>>, vector<16xf32>,
      %broadcast_in_dim3A_160 = arith.constant 0.000000e+00 : f32
      %broadcast_in_dim3A_161 = vector.broadcast %broadcast_in_dim3A_160 : f32 to vector<16xf32>
      %swap3A_162 = arith.constant 0 : i32
      %swap3A_163 = arith.index_cast %swap3A_162 : i32 to index
      %swap3A_164 = arith.index_cast %scan3A_140 : i32 to index
      %swap3A_165 = arith.constant 48 : index
      %swap3A_166 = tpu.vector_load %arg9[%swap3A_163, %swap3A_164, %swap3A_165] {strides = array<i32>} : memref<3x48x128xf32, #tpu.memory_space<vmem>>, vector<16xf32>,
      tpu.vector_store %arg9[%swap3A_163, %swap3A_164, %swap3A_165], %broadcast_in_dim3A_161 {strides = array<i32>} : memref<3x48x128xf32, #tpu.memory_space<vmem>>, vector<16xf32>,
      %broadcast_in_dim3A_167 = arith.constant 0.000000e+00 : f32
      %broadcast_in_dim3A_168 = vector.broadcast %broadcast_in_dim3A_167 : f32 to vector<16xf32>
      %swap3A_169 = arith.constant 0 : i32
      %swap3A_170 = arith.index_cast %swap3A_169 : i32 to index
      %swap3A_171 = arith.index_cast %scan3A_140 : i32 to index
      %swap3A_172 = arith.constant 64 : index
      %swap3A_173 = tpu.vector_load %arg9[%swap3A_170, %swap3A_171, %swap3A_172] {strides = array<i32>} : memref<3x48x128xf32, #tpu.memory_space<vmem>>, vector<16xf32>,
      tpu.vector_store %arg9[%swap3A_170, %swap3A_171, %swap3A_172], %broadcast_in_dim3A_168 {strides = array<i32>} : memref<3x48x128xf32, #tpu.memory_space<vmem>>, vector<16xf32>,
      %broadcast_in_dim3A_174 = arith.constant 0.000000e+00 : f32
      %broadcast_in_dim3A_175 = vector.broadcast %broadcast_in_dim3A_174 : f32 to vector<16xf32>
      %swap3A_176 = arith.constant 0 : i32
      %swap3A_177 = arith.index_cast %swap3A_176 : i32 to index
      %swap3A_178 = arith.index_cast %scan3A_140 : i32 to index
      %swap3A_179 = arith.constant 80 : index
      %swap3A_180 = tpu.vector_load %arg9[%swap3A_177, %swap3A_178, %swap3A_179] {strides = array<i32>} : memref<3x48x128xf32, #tpu.memory_space<vmem>>, vector<16xf32>,
      tpu.vector_store %arg9[%swap3A_177, %swap3A_178, %swap3A_179], %broadcast_in_dim3A_175 {strides = array<i32>} : memref<3x48x128xf32, #tpu.memory_space<vmem>>, vector<16xf32>,
      %broadcast_in_dim3A_181 = arith.constant 0.000000e+00 : f32
      %broadcast_in_dim3A_182 = vector.broadcast %broadcast_in_dim3A_181 : f32 to vector<16xf32>
      %swap3A_183 = arith.constant 0 : i32
      %swap3A_184 = arith.index_cast %swap3A_183 : i32 to index
      %swap3A_185 = arith.index_cast %scan3A_140 : i32 to index
      %swap3A_186 = arith.constant 96 : index
      %swap3A_187 = tpu.vector_load %arg9[%swap3A_184, %swap3A_185, %swap3A_186] {strides = array<i32>} : memref<3x48x128xf32, #tpu.memory_space<vmem>>, vector<16xf32>,
      tpu.vector_store %arg9[%swap3A_184, %swap3A_185, %swap3A_186], %broadcast_in_dim3A_182 {strides = array<i32>} : memref<3x48x128xf32, #tpu.memory_space<vmem>>, vector<16xf32>,
      %broadcast_in_dim3A_188 = arith.constant 0.000000e+00 : f32
      %broadcast_in_dim3A_189 = vector.broadcast %broadcast_in_dim3A_188 : f32 to vector<16xf32>
      %swap3A_190 = arith.constant 0 : i32
      %swap3A_191 = arith.index_cast %swap3A_190 : i32 to index
      %swap3A_192 = arith.index_cast %scan3A_140 : i32 to index
      %swap3A_193 = arith.constant 112 : index
      %swap3A_194 = tpu.vector_load %arg9[%swap3A_191, %swap3A_192, %swap3A_193] {strides = array<i32>} : memref<3x48x128xf32, #tpu.memory_space<vmem>>, vector<16xf32>,
      tpu.vector_store %arg9[%swap3A_191, %swap3A_192, %swap3A_193], %broadcast_in_dim3A_189 {strides = array<i32>} : memref<3x48x128xf32, #tpu.memory_space<vmem>>, vector<16xf32>,
    }
    %scan3A_4 = arith.constant 48 : i32
    %scan3A_5 = arith.constant 0 : i32
    %scan3A_6 = arith.constant 0 : i32
    %scan3A_7 = arith.constant 25 : i32
    %scan3A_8 = arith.addi %scan3A_6, %scan3A_7 : i32
    %scan3A_9 = arith.constant 1 : i32
    scf.for %scan3A_140 = %scan3A_6 to %scan3A_8 step %scan3A_9  : i32 {
      %broadcast_in_dim3A = arith.constant 0.000000e+00 : f32
      %broadcast_in_dim3A_141 = vector.broadcast %broadcast_in_dim3A : f32 to vector<16xf32>
      %mul3A_142 = arith.constant 16 : i32
      %mul3A_143 = arith.muli %scan3A_140, %mul3A_142 : i32
      %swap3A = arith.index_cast %mul3A_143 : i32 to index
      %swap3A_144 = tpu.vector_load %arg13[%swap3A] {strides = array<i32>} : memref<400xf32, #tpu.memory_space<vmem>>, vector<16xf32>,
      tpu.vector_store %arg13[%swap3A], %broadcast_in_dim3A_141 {strides = array<i32>} : memref<400xf32, #tpu.memory_space<vmem>>, vector<16xf32>,
    }
    %scan3A_10 = arith.constant 25 : i32
    %mul3A = arith.constant 624 : i32
    %mul3A_11 = arith.muli %arg1, %mul3A : i32
    %multiple_of3A = tpu.assume_multiple %mul3A_11, 8 : i32
    %scan3A_12 = arith.constant 0 : i32
    %scan3A_13 = arith.constant 0 : i32
    %scan3A_14 = arith.constant 13 : i32
    %scan3A_15 = arith.addi %scan3A_13, %scan3A_14 : i32
    %scan3A_16 = arith.constant 1 : i32
    scf.for %scan3A_140 = %scan3A_13 to %scan3A_15 step %scan3A_16  : i32 {
      %mul3A_141 = arith.constant 48 : i32
      %mul3A_142 = arith.muli %scan3A_140, %mul3A_141 : i32
      %add3A_143 = arith.addi %multiple_of3A, %mul3A_142 : i32
      %run_scoped3A_144 = arith.constant 0 : i32
      "tpu.region"() ({
        %run_scoped3A_145 = tpu.sem_alloc : memref<!tpu.dma_semaphore, #tpu.memory_space<semaphore_mem>>
        %dma_start3A_146 = arith.constant 0 : i32
        %dma_start3A_147 = arith.constant 0 : i32
        %dma_start3A_148 = tpu.memref_slice %arg9[%run_scoped3A_144, %dma_start3A_146, %dma_start3A_147] : memref<3x48x128xf32, #tpu.memory_space<vmem>> -> memref<1x48x128xf32, #tpu.memory_space<vmem>>
        %dma_start3A_149 = tpu.memref_squeeze %dma_start3A_148 : memref<1x48x128xf32, #tpu.memory_space<vmem>> -> memref<48x128xf32, #tpu.memory_space<vmem>>
        %dma_start3A_150 = arith.constant 0 : i32
        %dma_start3A_151 = tpu.memref_slice %arg14[%add3A_143, %dma_start3A_150] : memref<10000x128xf32, #tpu.memory_space<vmem_shared>> -> memref<48x128xf32, #tpu.memory_space<vmem_shared>>
        %dma_start3A_152 = arith.constant 0 : i32
        %dma_start3A_153 = tpu.memref_slice %arg14[%add3A_143, %dma_start3A_152] : memref<10000x128xf32, #tpu.memory_space<vmem_shared>> -> memref<48x128xf32, #tpu.memory_space<vmem_shared>>
        %dma_start3A_154 = arith.constant 0 : i32
        %dma_start3A_155 = arith.constant 0 : i32
        %dma_start3A_156 = tpu.memref_slice %arg9[%run_scoped3A_144, %dma_start3A_154, %dma_start3A_155] : memref<3x48x128xf32, #tpu.memory_space<vmem>> -> memref<1x48x128xf32, #tpu.memory_space<vmem>>
        %dma_start3A_157 = tpu.memref_squeeze %dma_start3A_156 : memref<1x48x128xf32, #tpu.memory_space<vmem>> -> memref<48x128xf32, #tpu.memory_space<vmem>>
        tpu.enqueue_dma source(%dma_start3A_157 : memref<48x128xf32, #tpu.memory_space<vmem>>) target(%dma_start3A_153 : memref<48x128xf32, #tpu.memory_space<vmem_shared>>) target_semaphore(%run_scoped3A_145 : memref<!tpu.dma_semaphore, #tpu.memory_space<semaphore_mem>>)
        %dma_wait3A_158 = arith.constant 0 : i32
        %dma_wait3A_159 = arith.constant 0 : i32
        %dma_wait3A_160 = tpu.memref_slice %arg9[%run_scoped3A_144, %dma_wait3A_158, %dma_wait3A_159] : memref<3x48x128xf32, #tpu.memory_space<vmem>> -> memref<1x48x128xf32, #tpu.memory_space<vmem>>
        %dma_wait3A_161 = tpu.memref_squeeze %dma_wait3A_160 : memref<1x48x128xf32, #tpu.memory_space<vmem>> -> memref<48x128xf32, #tpu.memory_space<vmem>>
        %dma_wait3A_162 = arith.constant 0 : i32
        %dma_wait3A_163 = tpu.memref_slice %arg14[%add3A_143, %dma_wait3A_162] : memref<10000x128xf32, #tpu.memory_space<vmem_shared>> -> memref<48x128xf32, #tpu.memory_space<vmem_shared>>
        %dma_wait3A_164 = arith.constant 0 : i32
        %dma_wait3A_165 = tpu.memref_slice %arg14[%add3A_143, %dma_wait3A_164] : memref<10000x128xf32, #tpu.memory_space<vmem_shared>> -> memref<48x128xf32, #tpu.memory_space<vmem_shared>>
        %dma_wait3A_166 = arith.constant 0 : i32
        %dma_wait3A_167 = arith.constant 0 : i32
        %dma_wait3A_168 = tpu.memref_slice %arg9[%run_scoped3A_144, %dma_wait3A_166, %dma_wait3A_167] : memref<3x48x128xf32, #tpu.memory_space<vmem>> -> memref<1x48x128xf32, #tpu.memory_space<vmem>>
        %dma_wait3A_169 = tpu.memref_squeeze %dma_wait3A_168 : memref<1x48x128xf32, #tpu.memory_space<vmem>> -> memref<48x128xf32, #tpu.memory_space<vmem>>
        tpu.wait_dma2 semaphore(%run_scoped3A_145 : memref<!tpu.dma_semaphore, #tpu.memory_space<semaphore_mem>>) src(%dma_wait3A_169 : memref<48x128xf32, #tpu.memory_space<vmem>>) dst(%dma_wait3A_165 : memref<48x128xf32, #tpu.memory_space<vmem_shared>>)
        tpu.yield
      }) : () -> ()
    }
    %scan3A_17 = arith.constant 13 : i32
    %eq3A = arith.constant 0 : i32
    %eq3A_18 = arith.cmpi eq, %arg1, %eq3A : i32
    %convert_element_type3A = arith.extui %eq3A_18 : i1 to i32
    %cond3A = arith.constant 0 : i32
    %cond3A_19 = arith.cmpi ne, %convert_element_type3A, %cond3A : i32
    scf.if %cond3A_19 {
      %scan3A_140 = arith.constant 0 : i32
      %scan3A_141 = arith.constant 0 : i32
      %scan3A_142 = arith.constant 25 : i32
      %scan3A_143 = arith.addi %scan3A_141, %scan3A_142 : i32
      %scan3A_144 = arith.constant 1 : i32
      scf.for %scan3A_146 = %scan3A_141 to %scan3A_143 step %scan3A_144  : i32 {
        %mul3A_147 = arith.constant 400 : i32
        %mul3A_148 = arith.muli %scan3A_146, %mul3A_147 : i32
        "tpu.region"() ({
          %run_scoped3A_149 = tpu.sem_alloc : memref<!tpu.dma_semaphore, #tpu.memory_space<semaphore_mem>>
          %dma_start3A_150 = tpu.memref_slice %arg15[%mul3A_148] : memref<10000xf32, #tpu.memory_space<vmem_shared>> -> memref<400xf32, #tpu.memory_space<vmem_shared>>
          %dma_start3A_151 = tpu.memref_slice %arg15[%mul3A_148] : memref<10000xf32, #tpu.memory_space<vmem_shared>> -> memref<400xf32, #tpu.memory_space<vmem_shared>>
          tpu.enqueue_dma source(%arg13 : memref<400xf32, #tpu.memory_space<vmem>>) target(%dma_start3A_151 : memref<400xf32, #tpu.memory_space<vmem_shared>>) target_semaphore(%run_scoped3A_149 : memref<!tpu.dma_semaphore, #tpu.memory_space<semaphore_mem>>)
          %dma_wait3A_152 = tpu.memref_slice %arg15[%mul3A_148] : memref<10000xf32, #tpu.memory_space<vmem_shared>> -> memref<400xf32, #tpu.memory_space<vmem_shared>>
          %dma_wait3A_153 = tpu.memref_slice %arg15[%mul3A_148] : memref<10000xf32, #tpu.memory_space<vmem_shared>> -> memref<400xf32, #tpu.memory_space<vmem_shared>>
          tpu.wait_dma2 semaphore(%run_scoped3A_149 : memref<!tpu.dma_semaphore, #tpu.memory_space<semaphore_mem>>) src(%arg13 : memref<400xf32, #tpu.memory_space<vmem>>) dst(%dma_wait3A_153 : memref<400xf32, #tpu.memory_space<vmem_shared>>)
          tpu.yield
        }) : () -> ()
      }
      %scan3A_145 = arith.constant 25 : i32
    } else {
    }
    %barrier3A = arith.constant 0 : index
    tpu.barrier barrier_id(%barrier3A)
    %mul3A_20 = arith.constant 16 : i32
    %mul3A_21 = arith.muli %arg0, %mul3A_20 : i32
    %add3A = arith.addi %mul3A_21, %arg1 : i32
    %mul3A_22 = arith.constant 10032 : i32
    %mul3A_23 = arith.muli %add3A, %mul3A_22 : i32
    %multiple_of3A_24 = tpu.assume_multiple %mul3A_23, 8 : i32
    %run_scoped3A = arith.constant 0 : i32
    "tpu.region"() ({
      %run_scoped3A_140 = tpu.sem_alloc : memref<!tpu.dma_semaphore, #tpu.memory_space<semaphore_mem>>
      %dma_start3A_141 = arith.constant 0 : i32
      %dma_start3A_142 = tpu.memref_slice %arg10[%run_scoped3A, %dma_start3A_141] : memref<4x48xi32, #tpu.memory_space<vmem>> -> memref<1x48xi32, #tpu.memory_space<vmem>>
      %dma_start3A_143 = tpu.memref_squeeze %dma_start3A_142 : memref<1x48xi32, #tpu.memory_space<vmem>> -> memref<48xi32, #tpu.memory_space<vmem>>
      %dma_start3A_144 = tpu.memref_slice %arg3[%multiple_of3A_24] : memref<321024xi32, #tpu.memory_space<hbm>> -> memref<48xi32, #tpu.memory_space<hbm>>
      %dma_start3A_145 = arith.constant 0 : i32
      %dma_start3A_146 = tpu.memref_slice %arg10[%run_scoped3A, %dma_start3A_145] : memref<4x48xi32, #tpu.memory_space<vmem>> -> memref<1x48xi32, #tpu.memory_space<vmem>>
      %dma_start3A_147 = tpu.memref_squeeze %dma_start3A_146 : memref<1x48xi32, #tpu.memory_space<vmem>> -> memref<48xi32, #tpu.memory_space<vmem>>
      %dma_start3A_148 = tpu.memref_slice %arg3[%multiple_of3A_24] : memref<321024xi32, #tpu.memory_space<hbm>> -> memref<48xi32, #tpu.memory_space<hbm>>
      tpu.enqueue_dma source(%dma_start3A_148 : memref<48xi32, #tpu.memory_space<hbm>>) target(%dma_start3A_147 : memref<48xi32, #tpu.memory_space<vmem>>) target_semaphore(%run_scoped3A_140 : memref<!tpu.dma_semaphore, #tpu.memory_space<semaphore_mem>>)
      %dma_wait3A_149 = arith.constant 0 : i32
      %dma_wait3A_150 = tpu.memref_slice %arg10[%run_scoped3A, %dma_wait3A_149] : memref<4x48xi32, #tpu.memory_space<vmem>> -> memref<1x48xi32, #tpu.memory_space<vmem>>
      %dma_wait3A_151 = tpu.memref_squeeze %dma_wait3A_150 : memref<1x48xi32, #tpu.memory_space<vmem>> -> memref<48xi32, #tpu.memory_space<vmem>>
      %dma_wait3A_152 = tpu.memref_slice %arg3[%multiple_of3A_24] : memref<321024xi32, #tpu.memory_space<hbm>> -> memref<48xi32, #tpu.memory_space<hbm>>
      %dma_wait3A_153 = arith.constant 0 : i32
      %dma_wait3A_154 = tpu.memref_slice %arg10[%run_scoped3A, %dma_wait3A_153] : memref<4x48xi32, #tpu.memory_space<vmem>> -> memref<1x48xi32, #tpu.memory_space<vmem>>
      %dma_wait3A_155 = tpu.memref_squeeze %dma_wait3A_154 : memref<1x48xi32, #tpu.memory_space<vmem>> -> memref<48xi32, #tpu.memory_space<vmem>>
      %dma_wait3A_156 = tpu.memref_slice %arg3[%multiple_of3A_24] : memref<321024xi32, #tpu.memory_space<hbm>> -> memref<48xi32, #tpu.memory_space<hbm>>
      tpu.wait_dma2 semaphore(%run_scoped3A_140 : memref<!tpu.dma_semaphore, #tpu.memory_space<semaphore_mem>>) src(%dma_wait3A_156 : memref<48xi32, #tpu.memory_space<hbm>>) dst(%dma_wait3A_155 : memref<48xi32, #tpu.memory_space<vmem>>)
      tpu.yield
    }) : () -> ()
    %run_scoped3A_25 = arith.constant 0 : i32
    "tpu.region"() ({
      %run_scoped3A_140 = tpu.sem_alloc : memref<!tpu.dma_semaphore, #tpu.memory_space<semaphore_mem>>
      %dma_start3A_141 = arith.constant 0 : i32
      %dma_start3A_142 = tpu.memref_slice %arg11[%run_scoped3A_25, %dma_start3A_141] : memref<4x48xi32, #tpu.memory_space<vmem>> -> memref<1x48xi32, #tpu.memory_space<vmem>>
      %dma_start3A_143 = tpu.memref_squeeze %dma_start3A_142 : memref<1x48xi32, #tpu.memory_space<vmem>> -> memref<48xi32, #tpu.memory_space<vmem>>
      %dma_start3A_144 = tpu.memref_slice %arg4[%multiple_of3A_24] : memref<321024xi32, #tpu.memory_space<hbm>> -> memref<48xi32, #tpu.memory_space<hbm>>
      %dma_start3A_145 = arith.constant 0 : i32
      %dma_start3A_146 = tpu.memref_slice %arg11[%run_scoped3A_25, %dma_start3A_145] : memref<4x48xi32, #tpu.memory_space<vmem>> -> memref<1x48xi32, #tpu.memory_space<vmem>>
      %dma_start3A_147 = tpu.memref_squeeze %dma_start3A_146 : memref<1x48xi32, #tpu.memory_space<vmem>> -> memref<48xi32, #tpu.memory_space<vmem>>
      %dma_start3A_148 = tpu.memref_slice %arg4[%multiple_of3A_24] : memref<321024xi32, #tpu.memory_space<hbm>> -> memref<48xi32, #tpu.memory_space<hbm>>
      tpu.enqueue_dma source(%dma_start3A_148 : memref<48xi32, #tpu.memory_space<hbm>>) target(%dma_start3A_147 : memref<48xi32, #tpu.memory_space<vmem>>) target_semaphore(%run_scoped3A_140 : memref<!tpu.dma_semaphore, #tpu.memory_space<semaphore_mem>>)
      %dma_wait3A_149 = arith.constant 0 : i32
      %dma_wait3A_150 = tpu.memref_slice %arg11[%run_scoped3A_25, %dma_wait3A_149] : memref<4x48xi32, #tpu.memory_space<vmem>> -> memref<1x48xi32, #tpu.memory_space<vmem>>
      %dma_wait3A_151 = tpu.memref_squeeze %dma_wait3A_150 : memref<1x48xi32, #tpu.memory_space<vmem>> -> memref<48xi32, #tpu.memory_space<vmem>>
      %dma_wait3A_152 = tpu.memref_slice %arg4[%multiple_of3A_24] : memref<321024xi32, #tpu.memory_space<hbm>> -> memref<48xi32, #tpu.memory_space<hbm>>
      %dma_wait3A_153 = arith.constant 0 : i32
      %dma_wait3A_154 = tpu.memref_slice %arg11[%run_scoped3A_25, %dma_wait3A_153] : memref<4x48xi32, #tpu.memory_space<vmem>> -> memref<1x48xi32, #tpu.memory_space<vmem>>
      %dma_wait3A_155 = tpu.memref_squeeze %dma_wait3A_154 : memref<1x48xi32, #tpu.memory_space<vmem>> -> memref<48xi32, #tpu.memory_space<vmem>>
      %dma_wait3A_156 = tpu.memref_slice %arg4[%multiple_of3A_24] : memref<321024xi32, #tpu.memory_space<hbm>> -> memref<48xi32, #tpu.memory_space<hbm>>
      tpu.wait_dma2 semaphore(%run_scoped3A_140 : memref<!tpu.dma_semaphore, #tpu.memory_space<semaphore_mem>>) src(%dma_wait3A_156 : memref<48xi32, #tpu.memory_space<hbm>>) dst(%dma_wait3A_155 : memref<48xi32, #tpu.memory_space<vmem>>)
      tpu.yield
    }) : () -> ()
    %add3A_26 = arith.constant 48 : i32
    %add3A_27 = arith.addi %multiple_of3A_24, %add3A_26 : i32
    %multiple_of3A_28 = tpu.assume_multiple %add3A_27, 8 : i32
    %dma_start3A = arith.constant 1 : i32
    %dma_start3A_29 = arith.constant 0 : i32
    %dma_start3A_30 = tpu.memref_slice %arg10[%dma_start3A, %dma_start3A_29] : memref<4x48xi32, #tpu.memory_space<vmem>> -> memref<1x48xi32, #tpu.memory_space<vmem>>
    %dma_start3A_31 = tpu.memref_squeeze %dma_start3A_30 : memref<1x48xi32, #tpu.memory_space<vmem>> -> memref<48xi32, #tpu.memory_space<vmem>>
    %dma_start3A_32 = tpu.memref_slice %arg3[%multiple_of3A_28] : memref<321024xi32, #tpu.memory_space<hbm>> -> memref<48xi32, #tpu.memory_space<hbm>>
    %dma_start3A_33 = arith.constant 0 : i32
    %dma_start3A_34 = tpu.memref_slice %arg10[%dma_start3A, %dma_start3A_33] : memref<4x48xi32, #tpu.memory_space<vmem>> -> memref<1x48xi32, #tpu.memory_space<vmem>>
    %dma_start3A_35 = tpu.memref_squeeze %dma_start3A_34 : memref<1x48xi32, #tpu.memory_space<vmem>> -> memref<48xi32, #tpu.memory_space<vmem>>
    %dma_start3A_36 = tpu.memref_slice %arg3[%multiple_of3A_28] : memref<321024xi32, #tpu.memory_space<hbm>> -> memref<48xi32, #tpu.memory_space<hbm>>
    tpu.enqueue_dma source(%dma_start3A_36 : memref<48xi32, #tpu.memory_space<hbm>>) target(%dma_start3A_35 : memref<48xi32, #tpu.memory_space<vmem>>) target_semaphore(%arg18 : memref<!tpu.dma_semaphore, #tpu.memory_space<semaphore_mem>>)
    %dma_start3A_37 = arith.constant 1 : i32
    %dma_start3A_38 = arith.constant 0 : i32
    %dma_start3A_39 = tpu.memref_slice %arg11[%dma_start3A_37, %dma_start3A_38] : memref<4x48xi32, #tpu.memory_space<vmem>> -> memref<1x48xi32, #tpu.memory_space<vmem>>
    %dma_start3A_40 = tpu.memref_squeeze %dma_start3A_39 : memref<1x48xi32, #tpu.memory_space<vmem>> -> memref<48xi32, #tpu.memory_space<vmem>>
    %dma_start3A_41 = tpu.memref_slice %arg4[%multiple_of3A_28] : memref<321024xi32, #tpu.memory_space<hbm>> -> memref<48xi32, #tpu.memory_space<hbm>>
    %dma_start3A_42 = arith.constant 0 : i32
    %dma_start3A_43 = tpu.memref_slice %arg11[%dma_start3A_37, %dma_start3A_42] : memref<4x48xi32, #tpu.memory_space<vmem>> -> memref<1x48xi32, #tpu.memory_space<vmem>>
    %dma_start3A_44 = tpu.memref_squeeze %dma_start3A_43 : memref<1x48xi32, #tpu.memory_space<vmem>> -> memref<48xi32, #tpu.memory_space<vmem>>
    %dma_start3A_45 = tpu.memref_slice %arg4[%multiple_of3A_28] : memref<321024xi32, #tpu.memory_space<hbm>> -> memref<48xi32, #tpu.memory_space<hbm>>
    tpu.enqueue_dma source(%dma_start3A_45 : memref<48xi32, #tpu.memory_space<hbm>>) target(%dma_start3A_44 : memref<48xi32, #tpu.memory_space<vmem>>) target_semaphore(%arg18 : memref<!tpu.dma_semaphore, #tpu.memory_space<semaphore_mem>>)
    %dma_start3A_46 = arith.constant 0 : i32
    %dma_start3A_47 = arith.constant 0 : i32
    %dma_start3A_48 = arith.constant 0 : i32
    %dma_start3A_49 = arith.constant 0 : i32
    %dma_start3A_50 = tpu.memref_slice %arg7[%dma_start3A_47, %dma_start3A_48, %dma_start3A_49] : memref<2x48x128xf32, #tpu.memory_space<vmem>> -> memref<1x48x128xf32, #tpu.memory_space<vmem>>
    %dma_start3A_51 = tpu.memref_squeeze %dma_start3A_50 : memref<1x48x128xf32, #tpu.memory_space<vmem>> -> memref<48x128xf32, #tpu.memory_space<vmem>>
    %dma_start3A_52 = arith.constant 0 : i32
    %dma_start3A_53 = tpu.memref_slice %arg10[%dma_start3A_46, %dma_start3A_52] : memref<4x48xi32, #tpu.memory_space<vmem>> -> memref<1x48xi32, #tpu.memory_space<vmem>>
    %dma_start3A_54 = tpu.memref_squeeze %dma_start3A_53 : memref<1x48xi32, #tpu.memory_space<vmem>> -> memref<48xi32, #tpu.memory_space<vmem>>
    %dma_start3A_55 = arith.constant 0 : i32
    %dma_start3A_56 = arith.constant 0 : i32
    %dma_start3A_57 = tpu.memref_slice %arg2[%dma_start3A_55, %dma_start3A_56] : memref<10000x128xf32, #tpu.memory_space<hbm>> -> memref<10000x128xf32, #tpu.memory_space<hbm>>
    tpu.enqueue_indirect_dma source(%dma_start3A_57 : memref<10000x128xf32, #tpu.memory_space<hbm>>) target(%dma_start3A_51 : memref<48x128xf32, #tpu.memory_space<vmem>>) offsets(%dma_start3A_54 : memref<48xi32, #tpu.memory_space<vmem>>) semaphore(%arg16 : memref<!tpu.dma_semaphore, #tpu.memory_space<semaphore_mem>>)
    %dma_start3A_58 = arith.constant 0 : i32
    %dma_start3A_59 = arith.constant 0 : i32
    %dma_start3A_60 = arith.constant 0 : i32
    %dma_start3A_61 = arith.constant 0 : i32
    %dma_start3A_62 = tpu.memref_slice %arg8[%dma_start3A_59, %dma_start3A_60, %dma_start3A_61] : memref<2x48x128xf32, #tpu.memory_space<vmem>> -> memref<1x48x128xf32, #tpu.memory_space<vmem>>
    %dma_start3A_63 = tpu.memref_squeeze %dma_start3A_62 : memref<1x48x128xf32, #tpu.memory_space<vmem>> -> memref<48x128xf32, #tpu.memory_space<vmem>>
    %dma_start3A_64 = arith.constant 0 : i32
    %dma_start3A_65 = tpu.memref_slice %arg11[%dma_start3A_58, %dma_start3A_64] : memref<4x48xi32, #tpu.memory_space<vmem>> -> memref<1x48xi32, #tpu.memory_space<vmem>>
    %dma_start3A_66 = tpu.memref_squeeze %dma_start3A_65 : memref<1x48xi32, #tpu.memory_space<vmem>> -> memref<48xi32, #tpu.memory_space<vmem>>
    %dma_start3A_67 = arith.constant 0 : i32
    %dma_start3A_68 = arith.constant 0 : i32
    %dma_start3A_69 = tpu.memref_slice %arg2[%dma_start3A_67, %dma_start3A_68] : memref<10000x128xf32, #tpu.memory_space<hbm>> -> memref<10000x128xf32, #tpu.memory_space<hbm>>
    tpu.enqueue_indirect_dma source(%dma_start3A_69 : memref<10000x128xf32, #tpu.memory_space<hbm>>) target(%dma_start3A_63 : memref<48x128xf32, #tpu.memory_space<vmem>>) offsets(%dma_start3A_66 : memref<48xi32, #tpu.memory_space<vmem>>) semaphore(%arg16 : memref<!tpu.dma_semaphore, #tpu.memory_space<semaphore_mem>>)
    %scan3A_70 = arith.constant 0 : i32
    %scan3A_71 = arith.constant 0 : i32
    %scan3A_72 = arith.constant 209 : i32
    %scan3A_73 = arith.addi %scan3A_71, %scan3A_72 : i32
    %scan3A_74 = arith.constant 1 : i32
    %scan3A_75 = scf.for %scan3A_140 = %scan3A_71 to %scan3A_73 step %scan3A_74 iter_args(%scan3A_141 = %scan3A_70) -> (i32)  : i32 {
      %rem3A = arith.constant 3 : i32
      %rem3A_142 = arith.remsi %scan3A_140, %rem3A : i32
      %rem3A_143 = arith.constant 2 : i32
      %rem3A_144 = arith.remsi %scan3A_140, %rem3A_143 : i32
      %rem3A_145 = arith.constant 4 : i32
      %rem3A_146 = arith.remsi %scan3A_140, %rem3A_145 : i32
      %lt3A = arith.constant 208 : i32
      %lt3A_147 = arith.cmpi slt, %scan3A_140, %lt3A : i32
      %convert_element_type3A_148 = arith.extui %lt3A_147 : i1 to i32
      %cond3A_149 = arith.constant 0 : i32
      %cond3A_150 = arith.cmpi ne, %convert_element_type3A_148, %cond3A_149 : i32
      scf.if %cond3A_150 {
        %add3A_203 = arith.constant 1 : i32
        %add3A_204 = arith.addi %scan3A_140, %add3A_203 : i32
        %rem3A_205 = arith.constant 3 : i32
        %rem3A_206 = arith.remsi %add3A_204, %rem3A_205 : i32
        %add3A_207 = arith.constant 1 : i32
        %add3A_208 = arith.addi %scan3A_140, %add3A_207 : i32
        %rem3A_209 = arith.constant 2 : i32
        %rem3A_210 = arith.remsi %add3A_208, %rem3A_209 : i32
        %add3A_211 = arith.constant 1 : i32
        %add3A_212 = arith.addi %scan3A_140, %add3A_211 : i32
        %rem3A_213 = arith.constant 4 : i32
        %rem3A_214 = arith.remsi %add3A_212, %rem3A_213 : i32
        %dma_wait3A_215 = arith.constant 0 : i32
        %dma_wait3A_216 = arith.constant 0 : i32
        %dma_wait3A_217 = tpu.memref_slice %arg10[%rem3A_214, %dma_wait3A_216] : memref<4x48xi32, #tpu.memory_space<vmem>> -> memref<1x48xi32, #tpu.memory_space<vmem>>
        %dma_wait3A_218 = tpu.memref_squeeze %dma_wait3A_217 : memref<1x48xi32, #tpu.memory_space<vmem>> -> memref<48xi32, #tpu.memory_space<vmem>>
        %dma_wait3A_219 = arith.constant 0 : i32
        %dma_wait3A_220 = tpu.memref_slice %arg6[%dma_wait3A_215, %dma_wait3A_219] : memref<2x10000xf32, #tpu.memory_space<hbm>> -> memref<1x48xf32, #tpu.memory_space<hbm>>
        %dma_wait3A_221 = tpu.memref_squeeze %dma_wait3A_220 : memref<1x48xf32, #tpu.memory_space<hbm>> -> memref<48xf32, #tpu.memory_space<hbm>>
        %dma_wait3A_222 = arith.constant 0 : i32
        %dma_wait3A_223 = tpu.memref_slice %arg10[%rem3A_214, %dma_wait3A_222] : memref<4x48xi32, #tpu.memory_space<vmem>> -> memref<1x48xi32, #tpu.memory_space<vmem>>
        %dma_wait3A_224 = tpu.memref_squeeze %dma_wait3A_223 : memref<1x48xi32, #tpu.memory_space<vmem>> -> memref<48xi32, #tpu.memory_space<vmem>>
        %dma_wait3A_225 = arith.constant 0 : i32
        %dma_wait3A_226 = tpu.memref_slice %arg6[%dma_wait3A_215, %dma_wait3A_225] : memref<2x10000xf32, #tpu.memory_space<hbm>> -> memref<1x48xf32, #tpu.memory_space<hbm>>
        %dma_wait3A_227 = tpu.memref_squeeze %dma_wait3A_226 : memref<1x48xf32, #tpu.memory_space<hbm>> -> memref<48xf32, #tpu.memory_space<hbm>>
        tpu.wait_dma2 semaphore(%arg18 : memref<!tpu.dma_semaphore, #tpu.memory_space<semaphore_mem>>) src(%dma_wait3A_227 : memref<48xf32, #tpu.memory_space<hbm>>) dst(%dma_wait3A_224 : memref<48xi32, #tpu.memory_space<vmem>>)
        %dma_wait3A_228 = arith.constant 0 : i32
        %dma_wait3A_229 = arith.constant 0 : i32
        %dma_wait3A_230 = tpu.memref_slice %arg11[%rem3A_214, %dma_wait3A_229] : memref<4x48xi32, #tpu.memory_space<vmem>> -> memref<1x48xi32, #tpu.memory_space<vmem>>
        %dma_wait3A_231 = tpu.memref_squeeze %dma_wait3A_230 : memref<1x48xi32, #tpu.memory_space<vmem>> -> memref<48xi32, #tpu.memory_space<vmem>>
        %dma_wait3A_232 = arith.constant 0 : i32
        %dma_wait3A_233 = tpu.memref_slice %arg6[%dma_wait3A_228, %dma_wait3A_232] : memref<2x10000xf32, #tpu.memory_space<hbm>> -> memref<1x48xf32, #tpu.memory_space<hbm>>
        %dma_wait3A_234 = tpu.memref_squeeze %dma_wait3A_233 : memref<1x48xf32, #tpu.memory_space<hbm>> -> memref<48xf32, #tpu.memory_space<hbm>>
        %dma_wait3A_235 = arith.constant 0 : i32
        %dma_wait3A_236 = tpu.memref_slice %arg11[%rem3A_214, %dma_wait3A_235] : memref<4x48xi32, #tpu.memory_space<vmem>> -> memref<1x48xi32, #tpu.memory_space<vmem>>
        %dma_wait3A_237 = tpu.memref_squeeze %dma_wait3A_236 : memref<1x48xi32, #tpu.memory_space<vmem>> -> memref<48xi32, #tpu.memory_space<vmem>>
        %dma_wait3A_238 = arith.constant 0 : i32
        %dma_wait3A_239 = tpu.memref_slice %arg6[%dma_wait3A_228, %dma_wait3A_238] : memref<2x10000xf32, #tpu.memory_space<hbm>> -> memref<1x48xf32, #tpu.memory_space<hbm>>
        %dma_wait3A_240 = tpu.memref_squeeze %dma_wait3A_239 : memref<1x48xf32, #tpu.memory_space<hbm>> -> memref<48xf32, #tpu.memory_space<hbm>>
        tpu.wait_dma2 semaphore(%arg18 : memref<!tpu.dma_semaphore, #tpu.memory_space<semaphore_mem>>) src(%dma_wait3A_240 : memref<48xf32, #tpu.memory_space<hbm>>) dst(%dma_wait3A_237 : memref<48xi32, #tpu.memory_space<vmem>>)
        %ge3A = arith.constant 2 : i32
        %ge3A_241 = arith.cmpi sge, %scan3A_140, %ge3A : i32
        %convert_element_type3A_242 = arith.extui %ge3A_241 : i1 to i32
        %cond3A_243 = arith.constant 0 : i32
        %cond3A_244 = arith.cmpi ne, %convert_element_type3A_242, %cond3A_243 : i32
        scf.if %cond3A_244 {
          %dma_wait3A_272 = arith.constant 0 : i32
          %dma_wait3A_273 = arith.constant 0 : i32
          %dma_wait3A_274 = tpu.memref_slice %arg9[%rem3A_206, %dma_wait3A_272, %dma_wait3A_273] : memref<3x48x128xf32, #tpu.memory_space<vmem>> -> memref<1x48x128xf32, #tpu.memory_space<vmem>>
          %dma_wait3A_275 = tpu.memref_squeeze %dma_wait3A_274 : memref<1x48x128xf32, #tpu.memory_space<vmem>> -> memref<48x128xf32, #tpu.memory_space<vmem>>
          %dma_wait3A_276 = arith.constant 0 : i32
          %dma_wait3A_277 = arith.constant 0 : i32
          %dma_wait3A_278 = tpu.memref_slice %arg2[%dma_wait3A_276, %dma_wait3A_277] : memref<10000x128xf32, #tpu.memory_space<hbm>> -> memref<48x128xf32, #tpu.memory_space<hbm>>
          %dma_wait3A_279 = arith.constant 0 : i32
          %dma_wait3A_280 = arith.constant 0 : i32
          %dma_wait3A_281 = tpu.memref_slice %arg9[%rem3A_206, %dma_wait3A_279, %dma_wait3A_280] : memref<3x48x128xf32, #tpu.memory_space<vmem>> -> memref<1x48x128xf32, #tpu.memory_space<vmem>>
          %dma_wait3A_282 = tpu.memref_squeeze %dma_wait3A_281 : memref<1x48x128xf32, #tpu.memory_space<vmem>> -> memref<48x128xf32, #tpu.memory_space<vmem>>
          %dma_wait3A_283 = arith.constant 0 : i32
          %dma_wait3A_284 = arith.constant 0 : i32
          %dma_wait3A_285 = tpu.memref_slice %arg2[%dma_wait3A_283, %dma_wait3A_284] : memref<10000x128xf32, #tpu.memory_space<hbm>> -> memref<48x128xf32, #tpu.memory_space<hbm>>
          tpu.wait_dma2 semaphore(%arg17 : memref<!tpu.dma_semaphore, #tpu.memory_space<semaphore_mem>>) src(%dma_wait3A_285 : memref<48x128xf32, #tpu.memory_space<hbm>>) dst(%dma_wait3A_282 : memref<48x128xf32, #tpu.memory_space<vmem>>)
          %dma_wait3A_286 = arith.constant 0 : i32
          %dma_wait3A_287 = arith.constant 0 : i32
          %dma_wait3A_288 = tpu.memref_slice %arg12[%rem3A_206, %dma_wait3A_287] : memref<3x48xf32, #tpu.memory_space<vmem>> -> memref<1x48xf32, #tpu.memory_space<vmem>>
          %dma_wait3A_289 = tpu.memref_squeeze %dma_wait3A_288 : memref<1x48xf32, #tpu.memory_space<vmem>> -> memref<48xf32, #tpu.memory_space<vmem>>
          %dma_wait3A_290 = arith.constant 0 : i32
          %dma_wait3A_291 = tpu.memref_slice %arg6[%dma_wait3A_286, %dma_wait3A_290] : memref<2x10000xf32, #tpu.memory_space<hbm>> -> memref<1x48xf32, #tpu.memory_space<hbm>>
          %dma_wait3A_292 = tpu.memref_squeeze %dma_wait3A_291 : memref<1x48xf32, #tpu.memory_space<hbm>> -> memref<48xf32, #tpu.memory_space<hbm>>
          %dma_wait3A_293 = arith.constant 0 : i32
          %dma_wait3A_294 = tpu.memref_slice %arg12[%rem3A_206, %dma_wait3A_293] : memref<3x48xf32, #tpu.memory_space<vmem>> -> memref<1x48xf32, #tpu.memory_space<vmem>>
          %dma_wait3A_295 = tpu.memref_squeeze %dma_wait3A_294 : memref<1x48xf32, #tpu.memory_space<vmem>> -> memref<48xf32, #tpu.memory_space<vmem>>
          %dma_wait3A_296 = arith.constant 0 : i32
          %dma_wait3A_297 = tpu.memref_slice %arg6[%dma_wait3A_286, %dma_wait3A_296] : memref<2x10000xf32, #tpu.memory_space<hbm>> -> memref<1x48xf32, #tpu.memory_space<hbm>>
          %dma_wait3A_298 = tpu.memref_squeeze %dma_wait3A_297 : memref<1x48xf32, #tpu.memory_space<hbm>> -> memref<48xf32, #tpu.memory_space<hbm>>
          tpu.wait_dma2 semaphore(%arg17 : memref<!tpu.dma_semaphore, #tpu.memory_space<semaphore_mem>>) src(%dma_wait3A_298 : memref<48xf32, #tpu.memory_space<hbm>>) dst(%dma_wait3A_295 : memref<48xf32, #tpu.memory_space<vmem>>)
        } else {
        }
        %dma_start3A_245 = arith.constant 0 : i32
        %dma_start3A_246 = arith.constant 0 : i32
        %dma_start3A_247 = tpu.memref_slice %arg7[%rem3A_210, %dma_start3A_245, %dma_start3A_246] : memref<2x48x128xf32, #tpu.memory_space<vmem>> -> memref<1x48x128xf32, #tpu.memory_space<vmem>>
        %dma_start3A_248 = tpu.memref_squeeze %dma_start3A_247 : memref<1x48x128xf32, #tpu.memory_space<vmem>> -> memref<48x128xf32, #tpu.memory_space<vmem>>
        %dma_start3A_249 = arith.constant 0 : i32
        %dma_start3A_250 = tpu.memref_slice %arg10[%rem3A_214, %dma_start3A_249] : memref<4x48xi32, #tpu.memory_space<vmem>> -> memref<1x48xi32, #tpu.memory_space<vmem>>
        %dma_start3A_251 = tpu.memref_squeeze %dma_start3A_250 : memref<1x48xi32, #tpu.memory_space<vmem>> -> memref<48xi32, #tpu.memory_space<vmem>>
        %dma_start3A_252 = arith.constant 0 : i32
        %dma_start3A_253 = arith.constant 0 : i32
        %dma_start3A_254 = tpu.memref_slice %arg2[%dma_start3A_252, %dma_start3A_253] : memref<10000x128xf32, #tpu.memory_space<hbm>> -> memref<10000x128xf32, #tpu.memory_space<hbm>>
        tpu.enqueue_indirect_dma source(%dma_start3A_254 : memref<10000x128xf32, #tpu.memory_space<hbm>>) target(%dma_start3A_248 : memref<48x128xf32, #tpu.memory_space<vmem>>) offsets(%dma_start3A_251 : memref<48xi32, #tpu.memory_space<vmem>>) semaphore(%arg16 : memref<!tpu.dma_semaphore, #tpu.memory_space<semaphore_mem>>)
        %dma_start3A_255 = arith.constant 0 : i32
        %dma_start3A_256 = arith.constant 0 : i32
        %dma_start3A_257 = tpu.memref_slice %arg8[%rem3A_210, %dma_start3A_255, %dma_start3A_256] : memref<2x48x128xf32, #tpu.memory_space<vmem>> -> memref<1x48x128xf32, #tpu.memory_space<vmem>>
        %dma_start3A_258 = tpu.memref_squeeze %dma_start3A_257 : memref<1x48x128xf32, #tpu.memory_space<vmem>> -> memref<48x128xf32, #tpu.memory_space<vmem>>
        %dma_start3A_259 = arith.constant 0 : i32
        %dma_start3A_260 = tpu.memref_slice %arg11[%rem3A_214, %dma_start3A_259] : memref<4x48xi32, #tpu.memory_space<vmem>> -> memref<1x48xi32, #tpu.memory_space<vmem>>
        %dma_start3A_261 = tpu.memref_squeeze %dma_start3A_260 : memref<1x48xi32, #tpu.memory_space<vmem>> -> memref<48xi32, #tpu.memory_space<vmem>>
        %dma_start3A_262 = arith.constant 0 : i32
        %dma_start3A_263 = arith.constant 0 : i32
        %dma_start3A_264 = tpu.memref_slice %arg2[%dma_start3A_262, %dma_start3A_263] : memref<10000x128xf32, #tpu.memory_space<hbm>> -> memref<10000x128xf32, #tpu.memory_space<hbm>>
        tpu.enqueue_indirect_dma source(%dma_start3A_264 : memref<10000x128xf32, #tpu.memory_space<hbm>>) target(%dma_start3A_258 : memref<48x128xf32, #tpu.memory_space<vmem>>) offsets(%dma_start3A_261 : memref<48xi32, #tpu.memory_space<vmem>>) semaphore(%arg16 : memref<!tpu.dma_semaphore, #tpu.memory_space<semaphore_mem>>)
        %add3A_265 = arith.constant 2 : i32
        %add3A_266 = arith.addi %scan3A_140, %add3A_265 : i32
        %lt3A_267 = arith.constant 209 : i32
        %lt3A_268 = arith.cmpi slt, %add3A_266, %lt3A_267 : i32
        %convert_element_type3A_269 = arith.extui %lt3A_268 : i1 to i32
        %cond3A_270 = arith.constant 0 : i32
        %cond3A_271 = arith.cmpi ne, %convert_element_type3A_269, %cond3A_270 : i32
        scf.if %cond3A_271 {
          %add3A_272 = arith.constant 2 : i32
          %add3A_273 = arith.addi %scan3A_140, %add3A_272 : i32
          %add3A_274 = arith.constant 2 : i32
          %add3A_275 = arith.addi %scan3A_140, %add3A_274 : i32
          %rem3A_276 = arith.constant 4 : i32
          %rem3A_277 = arith.remsi %add3A_275, %rem3A_276 : i32
          %mul3A_278 = arith.constant 48 : i32
          %mul3A_279 = arith.muli %add3A_273, %mul3A_278 : i32
          %add3A_280 = arith.addi %multiple_of3A_24, %mul3A_279 : i32
          %multiple_of3A_281 = tpu.assume_multiple %add3A_280, 8 : i32
          %dma_start3A_282 = arith.constant 0 : i32
          %dma_start3A_283 = tpu.memref_slice %arg10[%rem3A_277, %dma_start3A_282] : memref<4x48xi32, #tpu.memory_space<vmem>> -> memref<1x48xi32, #tpu.memory_space<vmem>>
          %dma_start3A_284 = tpu.memref_squeeze %dma_start3A_283 : memref<1x48xi32, #tpu.memory_space<vmem>> -> memref<48xi32, #tpu.memory_space<vmem>>
          %dma_start3A_285 = tpu.memref_slice %arg3[%multiple_of3A_281] : memref<321024xi32, #tpu.memory_space<hbm>> -> memref<48xi32, #tpu.memory_space<hbm>>
          %dma_start3A_286 = arith.constant 0 : i32
          %dma_start3A_287 = tpu.memref_slice %arg10[%rem3A_277, %dma_start3A_286] : memref<4x48xi32, #tpu.memory_space<vmem>> -> memref<1x48xi32, #tpu.memory_space<vmem>>
          %dma_start3A_288 = tpu.memref_squeeze %dma_start3A_287 : memref<1x48xi32, #tpu.memory_space<vmem>> -> memref<48xi32, #tpu.memory_space<vmem>>
          %dma_start3A_289 = tpu.memref_slice %arg3[%multiple_of3A_281] : memref<321024xi32, #tpu.memory_space<hbm>> -> memref<48xi32, #tpu.memory_space<hbm>>
          tpu.enqueue_dma source(%dma_start3A_289 : memref<48xi32, #tpu.memory_space<hbm>>) target(%dma_start3A_288 : memref<48xi32, #tpu.memory_space<vmem>>) target_semaphore(%arg18 : memref<!tpu.dma_semaphore, #tpu.memory_space<semaphore_mem>>)
          %dma_start3A_290 = arith.constant 0 : i32
          %dma_start3A_291 = tpu.memref_slice %arg11[%rem3A_277, %dma_start3A_290] : memref<4x48xi32, #tpu.memory_space<vmem>> -> memref<1x48xi32, #tpu.memory_space<vmem>>
          %dma_start3A_292 = tpu.memref_squeeze %dma_start3A_291 : memref<1x48xi32, #tpu.memory_space<vmem>> -> memref<48xi32, #tpu.memory_space<vmem>>
          %dma_start3A_293 = tpu.memref_slice %arg4[%multiple_of3A_281] : memref<321024xi32, #tpu.memory_space<hbm>> -> memref<48xi32, #tpu.memory_space<hbm>>
          %dma_start3A_294 = arith.constant 0 : i32
          %dma_start3A_295 = tpu.memref_slice %arg11[%rem3A_277, %dma_start3A_294] : memref<4x48xi32, #tpu.memory_space<vmem>> -> memref<1x48xi32, #tpu.memory_space<vmem>>
          %dma_start3A_296 = tpu.memref_squeeze %dma_start3A_295 : memref<1x48xi32, #tpu.memory_space<vmem>> -> memref<48xi32, #tpu.memory_space<vmem>>
          %dma_start3A_297 = tpu.memref_slice %arg4[%multiple_of3A_281] : memref<321024xi32, #tpu.memory_space<hbm>> -> memref<48xi32, #tpu.memory_space<hbm>>
          tpu.enqueue_dma source(%dma_start3A_297 : memref<48xi32, #tpu.memory_space<hbm>>) target(%dma_start3A_296 : memref<48xi32, #tpu.memory_space<vmem>>) target_semaphore(%arg18 : memref<!tpu.dma_semaphore, #tpu.memory_space<semaphore_mem>>)
        } else {
        }
      } else {
      }
      %dma_wait3A_151 = arith.constant 0 : i32
      %dma_wait3A_152 = arith.constant 0 : i32
      %dma_wait3A_153 = tpu.memref_slice %arg7[%rem3A_144, %dma_wait3A_151, %dma_wait3A_152] : memref<2x48x128xf32, #tpu.memory_space<vmem>> -> memref<1x48x128xf32, #tpu.memory_space<vmem>>
      %dma_wait3A_154 = tpu.memref_squeeze %dma_wait3A_153 : memref<1x48x128xf32, #tpu.memory_space<vmem>> -> memref<48x128xf32, #tpu.memory_space<vmem>>
      %dma_wait3A_155 = arith.constant 0 : i32
      %dma_wait3A_156 = arith.constant 0 : i32
      %dma_wait3A_157 = tpu.memref_slice %arg2[%dma_wait3A_155, %dma_wait3A_156] : memref<10000x128xf32, #tpu.memory_space<hbm>> -> memref<48x128xf32, #tpu.memory_space<hbm>>
      %dma_wait3A_158 = arith.constant 0 : i32
      %dma_wait3A_159 = arith.constant 0 : i32
      %dma_wait3A_160 = tpu.memref_slice %arg7[%rem3A_144, %dma_wait3A_158, %dma_wait3A_159] : memref<2x48x128xf32, #tpu.memory_space<vmem>> -> memref<1x48x128xf32, #tpu.memory_space<vmem>>
      %dma_wait3A_161 = tpu.memref_squeeze %dma_wait3A_160 : memref<1x48x128xf32, #tpu.memory_space<vmem>> -> memref<48x128xf32, #tpu.memory_space<vmem>>
      %dma_wait3A_162 = arith.constant 0 : i32
      %dma_wait3A_163 = arith.constant 0 : i32
      %dma_wait3A_164 = tpu.memref_slice %arg2[%dma_wait3A_162, %dma_wait3A_163] : memref<10000x128xf32, #tpu.memory_space<hbm>> -> memref<48x128xf32, #tpu.memory_space<hbm>>
      tpu.wait_dma2 semaphore(%arg16 : memref<!tpu.dma_semaphore, #tpu.memory_space<semaphore_mem>>) src(%dma_wait3A_164 : memref<48x128xf32, #tpu.memory_space<hbm>>) dst(%dma_wait3A_161 : memref<48x128xf32, #tpu.memory_space<vmem>>)
      %dma_wait3A_165 = arith.constant 0 : i32
      %dma_wait3A_166 = arith.constant 0 : i32
      %dma_wait3A_167 = tpu.memref_slice %arg8[%rem3A_144, %dma_wait3A_165, %dma_wait3A_166] : memref<2x48x128xf32, #tpu.memory_space<vmem>> -> memref<1x48x128xf32, #tpu.memory_space<vmem>>
      %dma_wait3A_168 = tpu.memref_squeeze %dma_wait3A_167 : memref<1x48x128xf32, #tpu.memory_space<vmem>> -> memref<48x128xf32, #tpu.memory_space<vmem>>
      %dma_wait3A_169 = arith.constant 0 : i32
      %dma_wait3A_170 = arith.constant 0 : i32
      %dma_wait3A_171 = tpu.memref_slice %arg2[%dma_wait3A_169, %dma_wait3A_170] : memref<10000x128xf32, #tpu.memory_space<hbm>> -> memref<48x128xf32, #tpu.memory_space<hbm>>
      %dma_wait3A_172 = arith.constant 0 : i32
      %dma_wait3A_173 = arith.constant 0 : i32
      %dma_wait3A_174 = tpu.memref_slice %arg8[%rem3A_144, %dma_wait3A_172, %dma_wait3A_173] : memref<2x48x128xf32, #tpu.memory_space<vmem>> -> memref<1x48x128xf32, #tpu.memory_space<vmem>>
      %dma_wait3A_175 = tpu.memref_squeeze %dma_wait3A_174 : memref<1x48x128xf32, #tpu.memory_space<vmem>> -> memref<48x128xf32, #tpu.memory_space<vmem>>
      %dma_wait3A_176 = arith.constant 0 : i32
      %dma_wait3A_177 = arith.constant 0 : i32
      %dma_wait3A_178 = tpu.memref_slice %arg2[%dma_wait3A_176, %dma_wait3A_177] : memref<10000x128xf32, #tpu.memory_space<hbm>> -> memref<48x128xf32, #tpu.memory_space<hbm>>
      tpu.wait_dma2 semaphore(%arg16 : memref<!tpu.dma_semaphore, #tpu.memory_space<semaphore_mem>>) src(%dma_wait3A_178 : memref<48x128xf32, #tpu.memory_space<hbm>>) dst(%dma_wait3A_175 : memref<48x128xf32, #tpu.memory_space<vmem>>)
      %mul3A_179 = arith.constant 48 : i32
      %mul3A_180 = arith.muli %scan3A_140, %mul3A_179 : i32
      %add3A_181 = arith.addi %multiple_of3A_24, %mul3A_180 : i32
      %iota3A = tpu.iota {dimensions = array<i32: 0>} : vector<16xi32>
      %parallel_loop3A = arith.constant 0 : i32
      %parallel_loop3A_182 = arith.constant 48 : i32
      %parallel_loop3A_183 = arith.constant 1 : i32
      scf.for %parallel_loop3A_203 = %parallel_loop3A to %parallel_loop3A_182 step %parallel_loop3A_183  : i32 {
        %parallel_loop3A_204 = arith.index_cast %rem3A_144 : i32 to index
        %parallel_loop3A_205 = arith.index_cast %parallel_loop3A_203 : i32 to index
        %parallel_loop3A_206 = arith.constant 0 : index
        %parallel_loop3A_207 = tpu.vector_load %arg7[%parallel_loop3A_204, %parallel_loop3A_205, %parallel_loop3A_206] {strides = array<i32>} : memref<2x48x128xf32, #tpu.memory_space<vmem>>, vector<16xf32>,
        %parallel_loop3A_208 = arith.index_cast %rem3A_144 : i32 to index
        %parallel_loop3A_209 = arith.index_cast %parallel_loop3A_203 : i32 to index
        %parallel_loop3A_210 = arith.constant 16 : index
        %parallel_loop3A_211 = tpu.vector_load %arg7[%parallel_loop3A_208, %parallel_loop3A_209, %parallel_loop3A_210] {strides = array<i32>} : memref<2x48x128xf32, #tpu.memory_space<vmem>>, vector<16xf32>,
        %parallel_loop3A_212 = arith.index_cast %rem3A_144 : i32 to index
        %parallel_loop3A_213 = arith.index_cast %parallel_loop3A_203 : i32 to index
        %parallel_loop3A_214 = arith.constant 32 : index
        %parallel_loop3A_215 = tpu.vector_load %arg7[%parallel_loop3A_212, %parallel_loop3A_213, %parallel_loop3A_214] {strides = array<i32>} : memref<2x48x128xf32, #tpu.memory_space<vmem>>, vector<16xf32>,
        %parallel_loop3A_216 = arith.index_cast %rem3A_144 : i32 to index
        %parallel_loop3A_217 = arith.index_cast %parallel_loop3A_203 : i32 to index
        %parallel_loop3A_218 = arith.constant 48 : index
        %parallel_loop3A_219 = tpu.vector_load %arg7[%parallel_loop3A_216, %parallel_loop3A_217, %parallel_loop3A_218] {strides = array<i32>} : memref<2x48x128xf32, #tpu.memory_space<vmem>>, vector<16xf32>,
        %parallel_loop3A_220 = arith.index_cast %rem3A_144 : i32 to index
        %parallel_loop3A_221 = arith.index_cast %parallel_loop3A_203 : i32 to index
        %parallel_loop3A_222 = arith.constant 64 : index
        %parallel_loop3A_223 = tpu.vector_load %arg7[%parallel_loop3A_220, %parallel_loop3A_221, %parallel_loop3A_222] {strides = array<i32>} : memref<2x48x128xf32, #tpu.memory_space<vmem>>, vector<16xf32>,
        %parallel_loop3A_224 = arith.index_cast %rem3A_144 : i32 to index
        %parallel_loop3A_225 = arith.index_cast %parallel_loop3A_203 : i32 to index
        %parallel_loop3A_226 = arith.constant 80 : index
        %parallel_loop3A_227 = tpu.vector_load %arg7[%parallel_loop3A_224, %parallel_loop3A_225, %parallel_loop3A_226] {strides = array<i32>} : memref<2x48x128xf32, #tpu.memory_space<vmem>>, vector<16xf32>,
        %parallel_loop3A_228 = arith.index_cast %rem3A_144 : i32 to index
        %parallel_loop3A_229 = arith.index_cast %parallel_loop3A_203 : i32 to index
        %parallel_loop3A_230 = arith.constant 96 : index
        %parallel_loop3A_231 = tpu.vector_load %arg7[%parallel_loop3A_228, %parallel_loop3A_229, %parallel_loop3A_230] {strides = array<i32>} : memref<2x48x128xf32, #tpu.memory_space<vmem>>, vector<16xf32>,
        %parallel_loop3A_232 = arith.index_cast %rem3A_144 : i32 to index
        %parallel_loop3A_233 = arith.index_cast %parallel_loop3A_203 : i32 to index
        %parallel_loop3A_234 = arith.constant 112 : index
        %parallel_loop3A_235 = tpu.vector_load %arg7[%parallel_loop3A_232, %parallel_loop3A_233, %parallel_loop3A_234] {strides = array<i32>} : memref<2x48x128xf32, #tpu.memory_space<vmem>>, vector<16xf32>,
        %parallel_loop3A_236 = arith.index_cast %rem3A_144 : i32 to index
        %parallel_loop3A_237 = arith.index_cast %parallel_loop3A_203 : i32 to index
        %parallel_loop3A_238 = arith.constant 0 : index
        %parallel_loop3A_239 = tpu.vector_load %arg8[%parallel_loop3A_236, %parallel_loop3A_237, %parallel_loop3A_238] {strides = array<i32>} : memref<2x48x128xf32, #tpu.memory_space<vmem>>, vector<16xf32>,
        %parallel_loop3A_240 = arith.index_cast %rem3A_144 : i32 to index
        %parallel_loop3A_241 = arith.index_cast %parallel_loop3A_203 : i32 to index
        %parallel_loop3A_242 = arith.constant 16 : index
        %parallel_loop3A_243 = tpu.vector_load %arg8[%parallel_loop3A_240, %parallel_loop3A_241, %parallel_loop3A_242] {strides = array<i32>} : memref<2x48x128xf32, #tpu.memory_space<vmem>>, vector<16xf32>,
        %parallel_loop3A_244 = arith.index_cast %rem3A_144 : i32 to index
        %parallel_loop3A_245 = arith.index_cast %parallel_loop3A_203 : i32 to index
        %parallel_loop3A_246 = arith.constant 32 : index
        %parallel_loop3A_247 = tpu.vector_load %arg8[%parallel_loop3A_244, %parallel_loop3A_245, %parallel_loop3A_246] {strides = array<i32>} : memref<2x48x128xf32, #tpu.memory_space<vmem>>, vector<16xf32>,
        %parallel_loop3A_248 = arith.index_cast %rem3A_144 : i32 to index
        %parallel_loop3A_249 = arith.index_cast %parallel_loop3A_203 : i32 to index
        %parallel_loop3A_250 = arith.constant 48 : index
        %parallel_loop3A_251 = tpu.vector_load %arg8[%parallel_loop3A_248, %parallel_loop3A_249, %parallel_loop3A_250] {strides = array<i32>} : memref<2x48x128xf32, #tpu.memory_space<vmem>>, vector<16xf32>,
        %parallel_loop3A_252 = arith.index_cast %rem3A_144 : i32 to index
        %parallel_loop3A_253 = arith.index_cast %parallel_loop3A_203 : i32 to index
        %parallel_loop3A_254 = arith.constant 64 : index
        %parallel_loop3A_255 = tpu.vector_load %arg8[%parallel_loop3A_252, %parallel_loop3A_253, %parallel_loop3A_254] {strides = array<i32>} : memref<2x48x128xf32, #tpu.memory_space<vmem>>, vector<16xf32>,
        %parallel_loop3A_256 = arith.index_cast %rem3A_144 : i32 to index
        %parallel_loop3A_257 = arith.index_cast %parallel_loop3A_203 : i32 to index
        %parallel_loop3A_258 = arith.constant 80 : index
        %parallel_loop3A_259 = tpu.vector_load %arg8[%parallel_loop3A_256, %parallel_loop3A_257, %parallel_loop3A_258] {strides = array<i32>} : memref<2x48x128xf32, #tpu.memory_space<vmem>>, vector<16xf32>,
        %parallel_loop3A_260 = arith.index_cast %rem3A_144 : i32 to index
        %parallel_loop3A_261 = arith.index_cast %parallel_loop3A_203 : i32 to index
        %parallel_loop3A_262 = arith.constant 96 : index
        %parallel_loop3A_263 = tpu.vector_load %arg8[%parallel_loop3A_260, %parallel_loop3A_261, %parallel_loop3A_262] {strides = array<i32>} : memref<2x48x128xf32, #tpu.memory_space<vmem>>, vector<16xf32>,
        %parallel_loop3A_264 = arith.index_cast %rem3A_144 : i32 to index
        %parallel_loop3A_265 = arith.index_cast %parallel_loop3A_203 : i32 to index
        %parallel_loop3A_266 = arith.constant 112 : index
        %parallel_loop3A_267 = tpu.vector_load %arg8[%parallel_loop3A_264, %parallel_loop3A_265, %parallel_loop3A_266] {strides = array<i32>} : memref<2x48x128xf32, #tpu.memory_space<vmem>>, vector<16xf32>,
        %parallel_loop3A_268 = arith.mulf %parallel_loop3A_207, %parallel_loop3A_239 : vector<16xf32>
        %parallel_loop3A_269 = arith.mulf %parallel_loop3A_211, %parallel_loop3A_243 : vector<16xf32>
        %parallel_loop3A_270 = arith.mulf %parallel_loop3A_215, %parallel_loop3A_247 : vector<16xf32>
        %parallel_loop3A_271 = arith.mulf %parallel_loop3A_219, %parallel_loop3A_251 : vector<16xf32>
        %parallel_loop3A_272 = arith.mulf %parallel_loop3A_223, %parallel_loop3A_255 : vector<16xf32>
        %parallel_loop3A_273 = arith.mulf %parallel_loop3A_227, %parallel_loop3A_259 : vector<16xf32>
        %parallel_loop3A_274 = arith.mulf %parallel_loop3A_231, %parallel_loop3A_263 : vector<16xf32>
        %parallel_loop3A_275 = arith.mulf %parallel_loop3A_235, %parallel_loop3A_267 : vector<16xf32>
        %parallel_loop3A_276 = arith.addf %parallel_loop3A_268, %parallel_loop3A_269 : vector<16xf32>
        %parallel_loop3A_277 = arith.addf %parallel_loop3A_270, %parallel_loop3A_271 : vector<16xf32>
        %parallel_loop3A_278 = arith.addf %parallel_loop3A_276, %parallel_loop3A_277 : vector<16xf32>
        %parallel_loop3A_279 = arith.addf %parallel_loop3A_272, %parallel_loop3A_273 : vector<16xf32>
        %parallel_loop3A_280 = arith.addf %parallel_loop3A_274, %parallel_loop3A_275 : vector<16xf32>
        %parallel_loop3A_281 = arith.addf %parallel_loop3A_279, %parallel_loop3A_280 : vector<16xf32>
        %parallel_loop3A_282 = arith.addf %parallel_loop3A_278, %parallel_loop3A_281 : vector<16xf32>
        %parallel_loop3A_283 = arith.constant true
        %parallel_loop3A_284 = vector.broadcast %parallel_loop3A_283 : i1 to vector<16xi1>
        %parallel_loop3A_285 = tpu.scan <sum>, %parallel_loop3A_282 masked %parallel_loop3A_284 : vector<16xf32>, vector<16xi1> -> vector<16xf32>
        %parallel_loop3A_286 = vector.extract %parallel_loop3A_285[15] : f32 from vector<16xf32>
        %parallel_loop3A_287 = arith.constant 2.000000e-01 : f32
        %parallel_loop3A_288 = arith.mulf %parallel_loop3A_286, %parallel_loop3A_287 : f32
        %parallel_loop3A_289 = arith.maximumf %parallel_loop3A_286, %parallel_loop3A_288 : f32
        %parallel_loop3A_290 = arith.addi %add3A_181, %parallel_loop3A_203 : i32
        %parallel_loop3A_291 = arith.constant 320000 : i32
        %parallel_loop3A_292 = arith.cmpi slt, %parallel_loop3A_290, %parallel_loop3A_291 : i32
        %parallel_loop3A_293 = arith.constant 1.000000e+00 : f32
        %parallel_loop3A_294 = arith.constant 0.000000e+00 : f32
        %parallel_loop3A_295 = arith.select %parallel_loop3A_292, %parallel_loop3A_293, %parallel_loop3A_294 : f32
        %parallel_loop3A_296 = vector.broadcast %parallel_loop3A_289 : f32 to vector<16xf32>
        %parallel_loop3A_297 = math.exp %parallel_loop3A_296 : vector<16xf32>
        %parallel_loop3A_298 = vector.broadcast %parallel_loop3A_295 : f32 to vector<16xf32>
        %parallel_loop3A_299 = arith.mulf %parallel_loop3A_297, %parallel_loop3A_298 : vector<16xf32>
        %parallel_loop3A_300 = arith.mulf %parallel_loop3A_207, %parallel_loop3A_299 : vector<16xf32>
        %parallel_loop3A_301 = arith.index_cast %rem3A_142 : i32 to index
        %parallel_loop3A_302 = arith.index_cast %parallel_loop3A_203 : i32 to index
        %parallel_loop3A_303 = arith.constant 0 : index
        %parallel_loop3A_304 = tpu.vector_load %arg9[%parallel_loop3A_301, %parallel_loop3A_302, %parallel_loop3A_303] {strides = array<i32>} : memref<3x48x128xf32, #tpu.memory_space<vmem>>, vector<16xf32>,
        tpu.vector_store %arg9[%parallel_loop3A_301, %parallel_loop3A_302, %parallel_loop3A_303], %parallel_loop3A_300 {strides = array<i32>} : memref<3x48x128xf32, #tpu.memory_space<vmem>>, vector<16xf32>,
        %parallel_loop3A_305 = arith.mulf %parallel_loop3A_211, %parallel_loop3A_299 : vector<16xf32>
        %parallel_loop3A_306 = arith.index_cast %rem3A_142 : i32 to index
        %parallel_loop3A_307 = arith.index_cast %parallel_loop3A_203 : i32 to index
        %parallel_loop3A_308 = arith.constant 16 : index
        %parallel_loop3A_309 = tpu.vector_load %arg9[%parallel_loop3A_306, %parallel_loop3A_307, %parallel_loop3A_308] {strides = array<i32>} : memref<3x48x128xf32, #tpu.memory_space<vmem>>, vector<16xf32>,
        tpu.vector_store %arg9[%parallel_loop3A_306, %parallel_loop3A_307, %parallel_loop3A_308], %parallel_loop3A_305 {strides = array<i32>} : memref<3x48x128xf32, #tpu.memory_space<vmem>>, vector<16xf32>,
        %parallel_loop3A_310 = arith.mulf %parallel_loop3A_215, %parallel_loop3A_299 : vector<16xf32>
        %parallel_loop3A_311 = arith.index_cast %rem3A_142 : i32 to index
        %parallel_loop3A_312 = arith.index_cast %parallel_loop3A_203 : i32 to index
        %parallel_loop3A_313 = arith.constant 32 : index
        %parallel_loop3A_314 = tpu.vector_load %arg9[%parallel_loop3A_311, %parallel_loop3A_312, %parallel_loop3A_313] {strides = array<i32>} : memref<3x48x128xf32, #tpu.memory_space<vmem>>, vector<16xf32>,
        tpu.vector_store %arg9[%parallel_loop3A_311, %parallel_loop3A_312, %parallel_loop3A_313], %parallel_loop3A_310 {strides = array<i32>} : memref<3x48x128xf32, #tpu.memory_space<vmem>>, vector<16xf32>,
        %parallel_loop3A_315 = arith.mulf %parallel_loop3A_219, %parallel_loop3A_299 : vector<16xf32>
        %parallel_loop3A_316 = arith.index_cast %rem3A_142 : i32 to index
        %parallel_loop3A_317 = arith.index_cast %parallel_loop3A_203 : i32 to index
        %parallel_loop3A_318 = arith.constant 48 : index
        %parallel_loop3A_319 = tpu.vector_load %arg9[%parallel_loop3A_316, %parallel_loop3A_317, %parallel_loop3A_318] {strides = array<i32>} : memref<3x48x128xf32, #tpu.memory_space<vmem>>, vector<16xf32>,
        tpu.vector_store %arg9[%parallel_loop3A_316, %parallel_loop3A_317, %parallel_loop3A_318], %parallel_loop3A_315 {strides = array<i32>} : memref<3x48x128xf32, #tpu.memory_space<vmem>>, vector<16xf32>,
        %parallel_loop3A_320 = arith.mulf %parallel_loop3A_223, %parallel_loop3A_299 : vector<16xf32>
        %parallel_loop3A_321 = arith.index_cast %rem3A_142 : i32 to index
        %parallel_loop3A_322 = arith.index_cast %parallel_loop3A_203 : i32 to index
        %parallel_loop3A_323 = arith.constant 64 : index
        %parallel_loop3A_324 = tpu.vector_load %arg9[%parallel_loop3A_321, %parallel_loop3A_322, %parallel_loop3A_323] {strides = array<i32>} : memref<3x48x128xf32, #tpu.memory_space<vmem>>, vector<16xf32>,
        tpu.vector_store %arg9[%parallel_loop3A_321, %parallel_loop3A_322, %parallel_loop3A_323], %parallel_loop3A_320 {strides = array<i32>} : memref<3x48x128xf32, #tpu.memory_space<vmem>>, vector<16xf32>,
        %parallel_loop3A_325 = arith.mulf %parallel_loop3A_227, %parallel_loop3A_299 : vector<16xf32>
        %parallel_loop3A_326 = arith.index_cast %rem3A_142 : i32 to index
        %parallel_loop3A_327 = arith.index_cast %parallel_loop3A_203 : i32 to index
        %parallel_loop3A_328 = arith.constant 80 : index
        %parallel_loop3A_329 = tpu.vector_load %arg9[%parallel_loop3A_326, %parallel_loop3A_327, %parallel_loop3A_328] {strides = array<i32>} : memref<3x48x128xf32, #tpu.memory_space<vmem>>, vector<16xf32>,
        tpu.vector_store %arg9[%parallel_loop3A_326, %parallel_loop3A_327, %parallel_loop3A_328], %parallel_loop3A_325 {strides = array<i32>} : memref<3x48x128xf32, #tpu.memory_space<vmem>>, vector<16xf32>,
        %parallel_loop3A_330 = arith.mulf %parallel_loop3A_231, %parallel_loop3A_299 : vector<16xf32>
        %parallel_loop3A_331 = arith.index_cast %rem3A_142 : i32 to index
        %parallel_loop3A_332 = arith.index_cast %parallel_loop3A_203 : i32 to index
        %parallel_loop3A_333 = arith.constant 96 : index
        %parallel_loop3A_334 = tpu.vector_load %arg9[%parallel_loop3A_331, %parallel_loop3A_332, %parallel_loop3A_333] {strides = array<i32>} : memref<3x48x128xf32, #tpu.memory_space<vmem>>, vector<16xf32>,
        tpu.vector_store %arg9[%parallel_loop3A_331, %parallel_loop3A_332, %parallel_loop3A_333], %parallel_loop3A_330 {strides = array<i32>} : memref<3x48x128xf32, #tpu.memory_space<vmem>>, vector<16xf32>,
        %parallel_loop3A_335 = arith.mulf %parallel_loop3A_235, %parallel_loop3A_299 : vector<16xf32>
        %parallel_loop3A_336 = arith.index_cast %rem3A_142 : i32 to index
        %parallel_loop3A_337 = arith.index_cast %parallel_loop3A_203 : i32 to index
        %parallel_loop3A_338 = arith.constant 112 : index
        %parallel_loop3A_339 = tpu.vector_load %arg9[%parallel_loop3A_336, %parallel_loop3A_337, %parallel_loop3A_338] {strides = array<i32>} : memref<3x48x128xf32, #tpu.memory_space<vmem>>, vector<16xf32>,
        tpu.vector_store %arg9[%parallel_loop3A_336, %parallel_loop3A_337, %parallel_loop3A_338], %parallel_loop3A_335 {strides = array<i32>} : memref<3x48x128xf32, #tpu.memory_space<vmem>>, vector<16xf32>,
        %parallel_loop3A_340 = vector.broadcast %parallel_loop3A_203 : i32 to vector<16xi32>
        %parallel_loop3A_341 = arith.constant 0 : i32
        %parallel_loop3A_342 = vector.broadcast %parallel_loop3A_341 : i32 to vector<16xi32>
        %parallel_loop3A_343 = arith.cmpi eq, %iota3A, %parallel_loop3A_342 : vector<16xi32>
        %parallel_loop3A_344 = arith.constant 0 : i32
        %parallel_loop3A_345 = tpu.memref_slice %arg12[%rem3A_142, %parallel_loop3A_344] : memref<3x48xf32, #tpu.memory_space<vmem>> -> memref<1x48xf32, #tpu.memory_space<vmem>>
        %parallel_loop3A_346 = tpu.memref_squeeze %parallel_loop3A_345 : memref<1x48xf32, #tpu.memory_space<vmem>> -> memref<48xf32, #tpu.memory_space<vmem>>
        tpu.vector_store_idx %parallel_loop3A_346[%parallel_loop3A_340], %parallel_loop3A_299 masked %parallel_loop3A_343 : memref<48xf32, #tpu.memory_space<vmem>>[vector<16xi32>], vector<16xf32>, vector<16xi1>
      } {sc.loop_unroll_factor = 2 : i64, sc.parallel_access}
      %dma_start3A_184 = arith.constant 0 : i32
      %dma_start3A_185 = arith.constant 0 : i32
      %dma_start3A_186 = tpu.memref_slice %arg9[%rem3A_142, %dma_start3A_184, %dma_start3A_185] : memref<3x48x128xf32, #tpu.memory_space<vmem>> -> memref<1x48x128xf32, #tpu.memory_space<vmem>>
      %dma_start3A_187 = tpu.memref_squeeze %dma_start3A_186 : memref<1x48x128xf32, #tpu.memory_space<vmem>> -> memref<48x128xf32, #tpu.memory_space<vmem>>
      %dma_start3A_188 = arith.constant 0 : i32
      %dma_start3A_189 = tpu.memref_slice %arg11[%rem3A_146, %dma_start3A_188] : memref<4x48xi32, #tpu.memory_space<vmem>> -> memref<1x48xi32, #tpu.memory_space<vmem>>
      %dma_start3A_190 = tpu.memref_squeeze %dma_start3A_189 : memref<1x48xi32, #tpu.memory_space<vmem>> -> memref<48xi32, #tpu.memory_space<vmem>>
      %dma_start3A_191 = arith.constant 0 : i32
      %dma_start3A_192 = arith.constant 0 : i32
      %dma_start3A_193 = tpu.memref_slice %arg14[%dma_start3A_191, %dma_start3A_192] : memref<10000x128xf32, #tpu.memory_space<vmem_shared>> -> memref<10000x128xf32, #tpu.memory_space<vmem_shared>>
      tpu.enqueue_indirect_dma source(%dma_start3A_187 : memref<48x128xf32, #tpu.memory_space<vmem>>) target(%dma_start3A_193 : memref<10000x128xf32, #tpu.memory_space<vmem_shared>>) offsets(%dma_start3A_190 : memref<48xi32, #tpu.memory_space<vmem>>) semaphore(%arg17 : memref<!tpu.dma_semaphore, #tpu.memory_space<semaphore_mem>>) {add = true}
      %dma_start3A_194 = arith.constant 0 : i32
      %dma_start3A_195 = tpu.memref_slice %arg12[%rem3A_142, %dma_start3A_194] : memref<3x48xf32, #tpu.memory_space<vmem>> -> memref<1x48xf32, #tpu.memory_space<vmem>>
      %dma_start3A_196 = tpu.memref_squeeze %dma_start3A_195 : memref<1x48xf32, #tpu.memory_space<vmem>> -> memref<48xf32, #tpu.memory_space<vmem>>
      %dma_start3A_197 = arith.constant 0 : i32
      %dma_start3A_198 = tpu.memref_slice %arg11[%rem3A_146, %dma_start3A_197] : memref<4x48xi32, #tpu.memory_space<vmem>> -> memref<1x48xi32, #tpu.memory_space<vmem>>
      %dma_start3A_199 = tpu.memref_squeeze %dma_start3A_198 : memref<1x48xi32, #tpu.memory_space<vmem>> -> memref<48xi32, #tpu.memory_space<vmem>>
      %dma_start3A_200 = arith.constant 0 : i32
      %dma_start3A_201 = tpu.memref_slice %arg15[%dma_start3A_200] : memref<10000xf32, #tpu.memory_space<vmem_shared>> -> memref<10000xf32, #tpu.memory_space<vmem_shared>>
      tpu.enqueue_indirect_dma source(%dma_start3A_196 : memref<48xf32, #tpu.memory_space<vmem>>) target(%dma_start3A_201 : memref<10000xf32, #tpu.memory_space<vmem_shared>>) offsets(%dma_start3A_199 : memref<48xi32, #tpu.memory_space<vmem>>) semaphore(%arg17 : memref<!tpu.dma_semaphore, #tpu.memory_space<semaphore_mem>>) {add = true}
      %scan3A_202 = arith.constant 0 : i32
      scf.yield %scan3A_202 : i32
    }
    %scan3A_76 = arith.constant 209 : i32
    %dma_wait3A = arith.constant 0 : i32
    %dma_wait3A_77 = arith.constant 0 : i32
    %dma_wait3A_78 = arith.constant 0 : i32
    %dma_wait3A_79 = tpu.memref_slice %arg9[%dma_wait3A, %dma_wait3A_77, %dma_wait3A_78] : memref<3x48x128xf32, #tpu.memory_space<vmem>> -> memref<1x48x128xf32, #tpu.memory_space<vmem>>
    %dma_wait3A_80 = tpu.memref_squeeze %dma_wait3A_79 : memref<1x48x128xf32, #tpu.memory_space<vmem>> -> memref<48x128xf32, #tpu.memory_space<vmem>>
    %dma_wait3A_81 = arith.constant 0 : i32
    %dma_wait3A_82 = arith.constant 0 : i32
    %dma_wait3A_83 = tpu.memref_slice %arg2[%dma_wait3A_81, %dma_wait3A_82] : memref<10000x128xf32, #tpu.memory_space<hbm>> -> memref<48x128xf32, #tpu.memory_space<hbm>>
    %dma_wait3A_84 = arith.constant 0 : i32
    %dma_wait3A_85 = arith.constant 0 : i32
    %dma_wait3A_86 = tpu.memref_slice %arg9[%dma_wait3A, %dma_wait3A_84, %dma_wait3A_85] : memref<3x48x128xf32, #tpu.memory_space<vmem>> -> memref<1x48x128xf32, #tpu.memory_space<vmem>>
    %dma_wait3A_87 = tpu.memref_squeeze %dma_wait3A_86 : memref<1x48x128xf32, #tpu.memory_space<vmem>> -> memref<48x128xf32, #tpu.memory_space<vmem>>
    %dma_wait3A_88 = arith.constant 0 : i32
    %dma_wait3A_89 = arith.constant 0 : i32
    %dma_wait3A_90 = tpu.memref_slice %arg2[%dma_wait3A_88, %dma_wait3A_89] : memref<10000x128xf32, #tpu.memory_space<hbm>> -> memref<48x128xf32, #tpu.memory_space<hbm>>
    tpu.wait_dma2 semaphore(%arg17 : memref<!tpu.dma_semaphore, #tpu.memory_space<semaphore_mem>>) src(%dma_wait3A_90 : memref<48x128xf32, #tpu.memory_space<hbm>>) dst(%dma_wait3A_87 : memref<48x128xf32, #tpu.memory_space<vmem>>)
    %dma_wait3A_91 = arith.constant 0 : i32
    %dma_wait3A_92 = arith.constant 0 : i32
    %dma_wait3A_93 = arith.constant 0 : i32
    %dma_wait3A_94 = tpu.memref_slice %arg12[%dma_wait3A_92, %dma_wait3A_93] : memref<3x48xf32, #tpu.memory_space<vmem>> -> memref<1x48xf32, #tpu.memory_space<vmem>>
    %dma_wait3A_95 = tpu.memref_squeeze %dma_wait3A_94 : memref<1x48xf32, #tpu.memory_space<vmem>> -> memref<48xf32, #tpu.memory_space<vmem>>
    %dma_wait3A_96 = arith.constant 0 : i32
    %dma_wait3A_97 = tpu.memref_slice %arg6[%dma_wait3A_91, %dma_wait3A_96] : memref<2x10000xf32, #tpu.memory_space<hbm>> -> memref<1x48xf32, #tpu.memory_space<hbm>>
    %dma_wait3A_98 = tpu.memref_squeeze %dma_wait3A_97 : memref<1x48xf32, #tpu.memory_space<hbm>> -> memref<48xf32, #tpu.memory_space<hbm>>
    %dma_wait3A_99 = arith.constant 0 : i32
    %dma_wait3A_100 = tpu.memref_slice %arg12[%dma_wait3A_92, %dma_wait3A_99] : memref<3x48xf32, #tpu.memory_space<vmem>> -> memref<1x48xf32, #tpu.memory_space<vmem>>
    %dma_wait3A_101 = tpu.memref_squeeze %dma_wait3A_100 : memref<1x48xf32, #tpu.memory_space<vmem>> -> memref<48xf32, #tpu.memory_space<vmem>>
    %dma_wait3A_102 = arith.constant 0 : i32
    %dma_wait3A_103 = tpu.memref_slice %arg6[%dma_wait3A_91, %dma_wait3A_102] : memref<2x10000xf32, #tpu.memory_space<hbm>> -> memref<1x48xf32, #tpu.memory_space<hbm>>
    %dma_wait3A_104 = tpu.memref_squeeze %dma_wait3A_103 : memref<1x48xf32, #tpu.memory_space<hbm>> -> memref<48xf32, #tpu.memory_space<hbm>>
    tpu.wait_dma2 semaphore(%arg17 : memref<!tpu.dma_semaphore, #tpu.memory_space<semaphore_mem>>) src(%dma_wait3A_104 : memref<48xf32, #tpu.memory_space<hbm>>) dst(%dma_wait3A_101 : memref<48xf32, #tpu.memory_space<vmem>>)
    %dma_wait3A_105 = arith.constant 1 : i32
    %dma_wait3A_106 = arith.constant 0 : i32
    %dma_wait3A_107 = arith.constant 0 : i32
    %dma_wait3A_108 = tpu.memref_slice %arg9[%dma_wait3A_105, %dma_wait3A_106, %dma_wait3A_107] : memref<3x48x128xf32, #tpu.memory_space<vmem>> -> memref<1x48x128xf32, #tpu.memory_space<vmem>>
    %dma_wait3A_109 = tpu.memref_squeeze %dma_wait3A_108 : memref<1x48x128xf32, #tpu.memory_space<vmem>> -> memref<48x128xf32, #tpu.memory_space<vmem>>
    %dma_wait3A_110 = arith.constant 0 : i32
    %dma_wait3A_111 = arith.constant 0 : i32
    %dma_wait3A_112 = tpu.memref_slice %arg2[%dma_wait3A_110, %dma_wait3A_111] : memref<10000x128xf32, #tpu.memory_space<hbm>> -> memref<48x128xf32, #tpu.memory_space<hbm>>
    %dma_wait3A_113 = arith.constant 0 : i32
    %dma_wait3A_114 = arith.constant 0 : i32
    %dma_wait3A_115 = tpu.memref_slice %arg9[%dma_wait3A_105, %dma_wait3A_113, %dma_wait3A_114] : memref<3x48x128xf32, #tpu.memory_space<vmem>> -> memref<1x48x128xf32, #tpu.memory_space<vmem>>
    %dma_wait3A_116 = tpu.memref_squeeze %dma_wait3A_115 : memref<1x48x128xf32, #tpu.memory_space<vmem>> -> memref<48x128xf32, #tpu.memory_space<vmem>>
    %dma_wait3A_117 = arith.constant 0 : i32
    %dma_wait3A_118 = arith.constant 0 : i32
    %dma_wait3A_119 = tpu.memref_slice %arg2[%dma_wait3A_117, %dma_wait3A_118] : memref<10000x128xf32, #tpu.memory_space<hbm>> -> memref<48x128xf32, #tpu.memory_space<hbm>>
    tpu.wait_dma2 semaphore(%arg17 : memref<!tpu.dma_semaphore, #tpu.memory_space<semaphore_mem>>) src(%dma_wait3A_119 : memref<48x128xf32, #tpu.memory_space<hbm>>) dst(%dma_wait3A_116 : memref<48x128xf32, #tpu.memory_space<vmem>>)
    %dma_wait3A_120 = arith.constant 0 : i32
    %dma_wait3A_121 = arith.constant 1 : i32
    %dma_wait3A_122 = arith.constant 0 : i32
    %dma_wait3A_123 = tpu.memref_slice %arg12[%dma_wait3A_121, %dma_wait3A_122] : memref<3x48xf32, #tpu.memory_space<vmem>> -> memref<1x48xf32, #tpu.memory_space<vmem>>
    %dma_wait3A_124 = tpu.memref_squeeze %dma_wait3A_123 : memref<1x48xf32, #tpu.memory_space<vmem>> -> memref<48xf32, #tpu.memory_space<vmem>>
    %dma_wait3A_125 = arith.constant 0 : i32
    %dma_wait3A_126 = tpu.memref_slice %arg6[%dma_wait3A_120, %dma_wait3A_125] : memref<2x10000xf32, #tpu.memory_space<hbm>> -> memref<1x48xf32, #tpu.memory_space<hbm>>
    %dma_wait3A_127 = tpu.memref_squeeze %dma_wait3A_126 : memref<1x48xf32, #tpu.memory_space<hbm>> -> memref<48xf32, #tpu.memory_space<hbm>>
    %dma_wait3A_128 = arith.constant 0 : i32
    %dma_wait3A_129 = tpu.memref_slice %arg12[%dma_wait3A_121, %dma_wait3A_128] : memref<3x48xf32, #tpu.memory_space<vmem>> -> memref<1x48xf32, #tpu.memory_space<vmem>>
    %dma_wait3A_130 = tpu.memref_squeeze %dma_wait3A_129 : memref<1x48xf32, #tpu.memory_space<vmem>> -> memref<48xf32, #tpu.memory_space<vmem>>
    %dma_wait3A_131 = arith.constant 0 : i32
    %dma_wait3A_132 = tpu.memref_slice %arg6[%dma_wait3A_120, %dma_wait3A_131] : memref<2x10000xf32, #tpu.memory_space<hbm>> -> memref<1x48xf32, #tpu.memory_space<hbm>>
    %dma_wait3A_133 = tpu.memref_squeeze %dma_wait3A_132 : memref<1x48xf32, #tpu.memory_space<hbm>> -> memref<48xf32, #tpu.memory_space<hbm>>
    tpu.wait_dma2 semaphore(%arg17 : memref<!tpu.dma_semaphore, #tpu.memory_space<semaphore_mem>>) src(%dma_wait3A_133 : memref<48xf32, #tpu.memory_space<hbm>>) dst(%dma_wait3A_130 : memref<48xf32, #tpu.memory_space<vmem>>)
    %barrier3A_134 = arith.constant 0 : index
    tpu.barrier barrier_id(%barrier3A_134)
    "tpu.region"() ({
      %run_scoped3A_140 = tpu.sem_alloc : memref<!tpu.dma_semaphore, #tpu.memory_space<semaphore_mem>>
      %dma_start3A_141 = arith.constant 0 : i32
      %dma_start3A_142 = tpu.memref_slice %arg5[%arg0, %multiple_of3A, %dma_start3A_141] : memref<2x10000x128xf32, #tpu.memory_space<hbm>> -> memref<1x640x128xf32, #tpu.memory_space<hbm>>
      %dma_start3A_143 = tpu.memref_squeeze %dma_start3A_142 : memref<1x640x128xf32, #tpu.memory_space<hbm>> -> memref<640x128xf32, #tpu.memory_space<hbm>>
      %dma_start3A_144 = arith.constant 0 : i32
      %dma_start3A_145 = tpu.memref_slice %arg14[%multiple_of3A, %dma_start3A_144] : memref<10000x128xf32, #tpu.memory_space<vmem_shared>> -> memref<640x128xf32, #tpu.memory_space<vmem_shared>>
      tpu.enqueue_dma source(%dma_start3A_145 : memref<640x128xf32, #tpu.memory_space<vmem_shared>>) target(%dma_start3A_143 : memref<640x128xf32, #tpu.memory_space<hbm>>) target_semaphore(%run_scoped3A_140 : memref<!tpu.dma_semaphore, #tpu.memory_space<semaphore_mem>>)
      %dma_wait3A_146 = arith.constant 0 : i32
      %dma_wait3A_147 = tpu.memref_slice %arg5[%arg0, %multiple_of3A, %dma_wait3A_146] : memref<2x10000x128xf32, #tpu.memory_space<hbm>> -> memref<1x640x128xf32, #tpu.memory_space<hbm>>
      %dma_wait3A_148 = tpu.memref_squeeze %dma_wait3A_147 : memref<1x640x128xf32, #tpu.memory_space<hbm>> -> memref<640x128xf32, #tpu.memory_space<hbm>>
      %dma_wait3A_149 = arith.constant 0 : i32
      %dma_wait3A_150 = tpu.memref_slice %arg14[%multiple_of3A, %dma_wait3A_149] : memref<10000x128xf32, #tpu.memory_space<vmem_shared>> -> memref<640x128xf32, #tpu.memory_space<vmem_shared>>
      tpu.wait_dma2 semaphore(%run_scoped3A_140 : memref<!tpu.dma_semaphore, #tpu.memory_space<semaphore_mem>>) src(%dma_wait3A_150 : memref<640x128xf32, #tpu.memory_space<vmem_shared>>) dst(%dma_wait3A_148 : memref<640x128xf32, #tpu.memory_space<hbm>>)
      tpu.yield
    }) : () -> ()
    %eq3A_135 = arith.constant 0 : i32
    %eq3A_136 = arith.cmpi eq, %arg1, %eq3A_135 : i32
    %convert_element_type3A_137 = arith.extui %eq3A_136 : i1 to i32
    %cond3A_138 = arith.constant 0 : i32
    %cond3A_139 = arith.cmpi ne, %convert_element_type3A_137, %cond3A_138 : i32
    scf.if %cond3A_139 {
      "tpu.region"() ({
        %run_scoped3A_140 = tpu.sem_alloc : memref<!tpu.dma_semaphore, #tpu.memory_space<semaphore_mem>>
        %dma_start3A_141 = arith.constant 0 : i32
        %dma_start3A_142 = tpu.memref_slice %arg6[%arg0, %dma_start3A_141] : memref<2x10000xf32, #tpu.memory_space<hbm>> -> memref<1x10000xf32, #tpu.memory_space<hbm>>
        %dma_start3A_143 = tpu.memref_squeeze %dma_start3A_142 : memref<1x10000xf32, #tpu.memory_space<hbm>> -> memref<10000xf32, #tpu.memory_space<hbm>>
        tpu.enqueue_dma source(%arg15 : memref<10000xf32, #tpu.memory_space<vmem_shared>>) target(%dma_start3A_143 : memref<10000xf32, #tpu.memory_space<hbm>>) target_semaphore(%run_scoped3A_140 : memref<!tpu.dma_semaphore, #tpu.memory_space<semaphore_mem>>)
        %dma_wait3A_144 = arith.constant 0 : i32
        %dma_wait3A_145 = tpu.memref_slice %arg6[%arg0, %dma_wait3A_144] : memref<2x10000xf32, #tpu.memory_space<hbm>> -> memref<1x10000xf32, #tpu.memory_space<hbm>>
        %dma_wait3A_146 = tpu.memref_squeeze %dma_wait3A_145 : memref<1x10000xf32, #tpu.memory_space<hbm>> -> memref<10000xf32, #tpu.memory_space<hbm>>
        tpu.wait_dma2 semaphore(%run_scoped3A_140 : memref<!tpu.dma_semaphore, #tpu.memory_space<semaphore_mem>>) src(%arg15 : memref<10000xf32, #tpu.memory_space<vmem_shared>>) dst(%dma_wait3A_146 : memref<10000xf32, #tpu.memory_space<hbm>>)
        tpu.yield
      }) : () -> ()
    } else {
    }
    return
  }
}

module attributes {stable_mosaic.version = 14 : i64} {
  func.func @_z_body(%arg0: i32, %arg1: memref<1000x128xf32, #tpu.memory_space<vmem>>, %arg2: memref<1000x128xf32, #tpu.memory_space<vmem>>, %arg3: memref<1000x1xi32, #tpu.memory_space<vmem>>, %arg4: memref<128x128xf32, #tpu.memory_space<vmem>>, %arg5: memref<128x128xf32, #tpu.memory_space<vmem>>, %arg6: memref<1000x128xf32, #tpu.memory_space<vmem>>) attributes {dimension_semantics = [#tpu.dimension_semantics<arbitrary>], iteration_bounds = array<i64: 10>, scalar_prefetch = 0 : i64, scratch_operands = 0 : i64, tpu.core_type = #tpu.core_type<tc>, window_params = [{transform_indices = @transform_0, window_bounds = array<i64: 1000, 128>}, {transform_indices = @transform_1, window_bounds = array<i64: 1000, 128>}, {transform_indices = @transform_2, window_bounds = array<i64: 1000, 1>}, {pipeline_mode = #tpu.pipeline_mode<synchronous>, transform_indices = @transform_3, window_bounds = array<i64: 128, 128>}, {pipeline_mode = #tpu.pipeline_mode<synchronous>, transform_indices = @transform_4, window_bounds = array<i64: 128, 128>}, {transform_indices = @transform_5, window_bounds = array<i64: 1000, 128>}]} {
    %get3A = arith.constant 0 : index
    %get3A_0 = arith.constant 0 : index
    %get3A_1 = vector.load %arg1[%get3A, %get3A_0] : memref<1000x128xf32, #tpu.memory_space<vmem>>, vector<1000x128xf32>
    %get3A_2 = arith.constant 0 : index
    %get3A_3 = arith.constant 0 : index
    %get3A_4 = vector.load %arg4[%get3A_2, %get3A_3] : memref<128x128xf32, #tpu.memory_space<vmem>>, vector<128x128xf32>
    %dot_general3A = arith.constant dense<0.000000e+00> : vector<1000x128xf32>
    %dot_general3A_5 = tpu.matmul %get3A_1, %get3A_4, %dot_general3A {dimension_numbers = #tpu.dot_dimension_numbers<[1], [1], [0], [0], [0, 0, 1, 0], [], []>, transpose_lhs_hint = false} : vector<1000x128xf32>, vector<128x128xf32>, vector<1000x128xf32> -> vector<1000x128xf32>
    %get3A_6 = arith.constant 0 : index
    %get3A_7 = arith.constant 0 : index
    %get3A_8 = vector.load %arg2[%get3A_6, %get3A_7] : memref<1000x128xf32, #tpu.memory_space<vmem>>, vector<1000x128xf32>
    %get3A_9 = arith.constant 0 : index
    %get3A_10 = arith.constant 0 : index
    %get3A_11 = vector.load %arg5[%get3A_9, %get3A_10] : memref<128x128xf32, #tpu.memory_space<vmem>>, vector<128x128xf32>
    %dot_general3A_12 = arith.constant dense<0.000000e+00> : vector<1000x128xf32>
    %dot_general3A_13 = tpu.matmul %get3A_8, %get3A_11, %dot_general3A_12 {dimension_numbers = #tpu.dot_dimension_numbers<[1], [1], [0], [0], [0, 0, 1, 0], [], []>, transpose_lhs_hint = false} : vector<1000x128xf32>, vector<128x128xf32>, vector<1000x128xf32> -> vector<1000x128xf32>
    %get3A_14 = arith.constant 0 : index
    %get3A_15 = arith.constant 0 : index
    %get3A_16 = vector.load %arg3[%get3A_14, %get3A_15] : memref<1000x1xi32, #tpu.memory_space<vmem>>, vector<1000x1xi32>
    %eq3A = arith.constant 1 : i32
    %eq3A_17 = vector.broadcast %eq3A : i32 to vector<1000x1xi32>
    %eq3A_18 = arith.cmpi eq, %get3A_16, %eq3A_17 : vector<1000x1xi32>
    %broadcast_in_dim3A = vector.shape_cast %eq3A_18 : vector<1000x1xi1> to vector<1000x1xi1>
    %broadcast_in_dim3A_19 = vector.broadcast %broadcast_in_dim3A : vector<1000x1xi1> to vector<1000x128xi1>
    %select_n3A = arith.select %broadcast_in_dim3A_19, %dot_general3A_5, %dot_general3A_13 : vector<1000x128xi1>, vector<1000x128xf32>
    %swap3A = arith.constant 0 : index
    %swap3A_20 = arith.constant 0 : index
    %swap3A_21 = vector.load %arg6[%swap3A, %swap3A_20] : memref<1000x128xf32, #tpu.memory_space<vmem>>, vector<1000x128xf32>
    tpu.vector_store %arg6[%swap3A, %swap3A_20], %select_n3A {strides = array<i32>} : memref<1000x128xf32, #tpu.memory_space<vmem>>, vector<1000x128xf32>,
    return
  }
  func.func @transform_0(%arg0: i32) -> (i32, i32) {
    %c0_i32 = arith.constant 0 : i32
    %c0_i32_0 = arith.constant 0 : i32
    return %arg0, %c0_i32 : i32, i32
  }
  func.func @transform_1(%arg0: i32) -> (i32, i32) {
    %c0_i32 = arith.constant 0 : i32
    %c0_i32_0 = arith.constant 0 : i32
    return %arg0, %c0_i32 : i32, i32
  }
  func.func @transform_2(%arg0: i32) -> (i32, i32) {
    %c0_i32 = arith.constant 0 : i32
    %c0_i32_0 = arith.constant 0 : i32
    return %arg0, %c0_i32 : i32, i32
  }
  func.func @transform_3(%arg0: i32) -> (i32, i32) {
    %c0_i32 = arith.constant 0 : i32
    %c0_i32_0 = arith.constant 0 : i32
    %c0_i32_1 = arith.constant 0 : i32
    return %c0_i32, %c0_i32_0 : i32, i32
  }
  func.func @transform_4(%arg0: i32) -> (i32, i32) {
    %c0_i32 = arith.constant 0 : i32
    %c0_i32_0 = arith.constant 0 : i32
    %c0_i32_1 = arith.constant 0 : i32
    return %c0_i32, %c0_i32_0 : i32, i32
  }
  func.func @transform_5(%arg0: i32) -> (i32, i32) {
    %c0_i32 = arith.constant 0 : i32
    %c0_i32_0 = arith.constant 0 : i32
    return %arg0, %c0_i32 : i32, i32
  }
}

module attributes {stable_mosaic.version = 14 : i64} {
  func.func @_final_body(%arg0: i32, %arg1: memref<2x2000x128xf32, #tpu.memory_space<vmem>>, %arg2: memref<2000x2xf32, #tpu.memory_space<vmem>>, %arg3: memref<2000x128xf32, #tpu.memory_space<vmem>>) attributes {dimension_semantics = [#tpu.dimension_semantics<arbitrary>], iteration_bounds = array<i64: 5>, scalar_prefetch = 0 : i64, scratch_operands = 0 : i64, tpu.core_type = #tpu.core_type<tc>, window_params = [{transform_indices = @transform_0, window_bounds = array<i64: 2, 2000, 128>}, {transform_indices = @transform_1, window_bounds = array<i64: 2000, 2>}, {transform_indices = @transform_2, window_bounds = array<i64: 2000, 128>}]} {
    %get3A = arith.constant 0 : index
    %get3A_0 = arith.constant 0 : index
    %get3A_1 = arith.constant 0 : index
    %get3A_2 = vector.load %arg1[%get3A, %get3A_0, %get3A_1] : memref<2x2000x128xf32, #tpu.memory_space<vmem>>, vector<1x2000x128xf32>
    %get3A_3 = vector.shape_cast %get3A_2 : vector<1x2000x128xf32> to vector<2000x128xf32>
    %get3A_4 = arith.constant 1 : index
    %get3A_5 = arith.constant 0 : index
    %get3A_6 = arith.constant 0 : index
    %get3A_7 = vector.load %arg1[%get3A_4, %get3A_5, %get3A_6] : memref<2x2000x128xf32, #tpu.memory_space<vmem>>, vector<1x2000x128xf32>
    %get3A_8 = vector.shape_cast %get3A_7 : vector<1x2000x128xf32> to vector<2000x128xf32>
    %add3A = arith.addf %get3A_3, %get3A_8 : vector<2000x128xf32>
    %get3A_9 = arith.constant 0 : index
    %get3A_10 = arith.constant 0 : index
    %get3A_11 = vector.load %arg2[%get3A_9, %get3A_10] : memref<2000x2xf32, #tpu.memory_space<vmem>>, vector<2000x1xf32>
    %get3A_12 = arith.constant 0 : index
    %get3A_13 = arith.constant 1 : index
    %get3A_14 = vector.load %arg2[%get3A_12, %get3A_13] : memref<2000x2xf32, #tpu.memory_space<vmem>>, vector<2000x1xf32>
    %add3A_15 = arith.addf %get3A_11, %get3A_14 : vector<2000x1xf32>
    %gt3A = arith.constant 0.000000e+00 : f32
    %gt3A_16 = vector.broadcast %gt3A : f32 to vector<2000x1xf32>
    %gt3A_17 = arith.cmpf ogt, %add3A_15, %gt3A_16 : vector<2000x1xf32>
    %jit3A = arith.constant 1.000000e+00 : f32
    %broadcast_in_dim3A = vector.broadcast %jit3A : f32 to vector<2000x1xf32>
    %select_n3A = arith.select %gt3A_17, %add3A_15, %broadcast_in_dim3A : vector<2000x1xi1>, vector<2000x1xf32>
    %div3A = vector.broadcast %select_n3A : vector<2000x1xf32> to vector<2000x128xf32>
    %div3A_18 = arith.divf %add3A, %div3A : vector<2000x128xf32>
    %gt3A_19 = arith.constant 0.000000e+00 : f32
    %gt3A_20 = vector.broadcast %gt3A_19 : f32 to vector<2000x128xf32>
    %gt3A_21 = arith.cmpf ogt, %div3A_18, %gt3A_20 : vector<2000x128xf32>
    %min3A = arith.constant 0.000000e+00 : f32
    %min3A_22 = vector.broadcast %min3A : f32 to vector<2000x128xf32>
    %min3A_23 = arith.minimumf %div3A_18, %min3A_22 : vector<2000x128xf32>
    %exp3A = math.exp %min3A_23 : vector<2000x128xf32>
    %sub3A = arith.constant 1.000000e+00 : f32
    %sub3A_24 = vector.broadcast %sub3A : f32 to vector<2000x128xf32>
    %sub3A_25 = arith.subf %exp3A, %sub3A_24 : vector<2000x128xf32>
    %select_n3A_26 = arith.select %gt3A_21, %div3A_18, %sub3A_25 : vector<2000x128xi1>, vector<2000x128xf32>
    %swap3A = arith.constant 0 : index
    %swap3A_27 = arith.constant 0 : index
    %swap3A_28 = vector.load %arg3[%swap3A, %swap3A_27] : memref<2000x128xf32, #tpu.memory_space<vmem>>, vector<2000x128xf32>
    tpu.vector_store %arg3[%swap3A, %swap3A_27], %select_n3A_26 {strides = array<i32>} : memref<2000x128xf32, #tpu.memory_space<vmem>>, vector<2000x128xf32>,
    return
  }
  func.func @transform_0(%arg0: i32) -> (i32, i32, i32) {
    %c0_i32 = arith.constant 0 : i32
    %c0_i32_0 = arith.constant 0 : i32
    %c0_i32_1 = arith.constant 0 : i32
    return %c0_i32, %arg0, %c0_i32_0 : i32, i32, i32
  }
  func.func @transform_1(%arg0: i32) -> (i32, i32) {
    %c0_i32 = arith.constant 0 : i32
    %c0_i32_0 = arith.constant 0 : i32
    return %arg0, %c0_i32 : i32, i32
  }
  func.func @transform_2(%arg0: i32) -> (i32, i32) {
    %c0_i32 = arith.constant 0 : i32
    %c0_i32_0 = arith.constant 0 : i32
    return %arg0, %c0_i32 : i32, i32
  }
}

</mosaic_0001>

<sc_bundles>
// kernel: kernel.5.cloned.1.call-start
scs
__scs_entry_jumppad:
0x0: {  	(pc) =	sbr.rel $0x88, $3  }
0x1: {  	(tag) =	ssettag $0x0;
	lr =	simm.s32 $0x1  }
0x2: {  	[smem:$0x3F9B] =	sst lr;
	_ =	strace $0xD0000000  }
0x3: {  	_ = 	snop  }
0x4: {  	_ = 	snop  }
0x5: {  	_ = 	snop  }
0x6: {  	_ = 	snop  }
0x7: {  	_ = 	snop  }
__scs_overlays_trampoline_lowered:
0x8: {  	[smem:$0x3FAA] =	sst s0  }
0x9: {  	[smem:$0x3FAB] =	sst s1  }
0xa: {  	[smem:$0x3FAC] =	sst s2  }
0xb: {  	[smem:$0x3FAD] =	sst s3  }
0xc: {  	[smem:$0x3FAE] =	sst s4  }
0xd: {  	[smem:$0x3FAF] =	sst s5  }
0xe: {  	[smem:$0x3FB0] =	sst s6  }
0xf: {  	[smem:$0x3FB1] =	sst s7  }
0x10: {  	[smem:$0x3FB2] =	sst s8  }
0x11: {  	[smem:$0x3FB3] =	sst s9;
	s0 =	simm.s32 @!p0 $0x0  }
0x12: {  	s1 =	sld [smem:$0x3F99];
	s0 =	simm.s32 @p0 $0x1  }
0x13: {  	[smem:$0x3FB4] =	sst s0;
	s0 =	simm.s32 @!p1 $0x0  }
0x14: {  	s2 =	sld [smem:$0x3F98];
	s0 =	simm.s32 @p1 $0x1  }
0x15: {  	[smem:$0x3FB5] =	sst s0;
	s0 =	simm.s32 @!p2 $0x0  }
0x16: {  	s3 =	sld [smem:$0x3FDB];
	s0 =	simm.s32 @p2 $0x1  }
0x17: {  	s4 =	simm.s32 $0x1BF5;
	[smem:$0x3FB7] =	sst s0  }
0x18: {  	s0 =	sld [smem:$0x3F9A];
	_ =	swait.ge [sflag:s4], $0x0  }
0x19: {  	s7 =	sld [smem:$0x3F9B]  }
0x1a: {  	s8 =	sadd.s32 $0xFFFFE003, lr  }
0x1b: {  	s9 =	sadd.s32 $0xFFFFFEF7, lr;
	s5 =	simm.s32 $0xFFFFFFFF;
	p2 =	slt.u32 s8, $0xFFFFF086  }
0x1c: {  	p1 =	slt.u32 s9, $0xF7A;
	s5 =	simm.s32 @!p2 $0x0  }
0x1d: {  	s5 =	simm.s32 @p1 $0x1;
	p0 =	seq.s32 s7, s2  }
0x1e: {  	s7 =	smul.u32 @!p0 $0xF7A, s2;
	p2 =	seq.s32 @!p0 s5, $0x0  }
0x1f: {  	s9 =	smul.u32 $0xF7A, s1;
	s8 =	simm.s32 @!p0 $0x1BF5;
	p2 =	por !p2, p0  }
0x20: {  	[sflag:s8] =	ssyncset.s32 @!p0 $0xFFFFF086;
	s6 =	sadd.s32 @!p0 s3, s7;
	s7 =	simm.s32 @!p0 $0x108  }
0x21: {  	s3 =	sadd.s32 s3, s9;
	s6 =	sadd.s32 @!p0 $0x88, s6;
	s7 =	simm.s32 @p2 $0x1082  }
0x22: {  	[simem:s7], [sflag:s8] =	dma.local @!p0 [hbm:s6], $0xF7A  }
0x23: {  	s9 =	sor.u32 $0xD0000000, s2;
	s6 =	simm.s32 $0x108;
	_ =	swait.ge @!p0 [sflag:s8], $0x0  }
0x24: {  	s3 =	sadd.s32 $0x88, s3;
	s6 =	simm.s32 @!p1 $0x1082;
	[sflag:s4] =	ssyncset.s32 $0xFFFFF086  }
0x25: {  	[simem:s6], [sflag:s4] =	dma.local [hbm:s3], $0xF7A  }
0x26: {  	[smem:$0x3F9B] =	sst s1;
	(tag) =	ssettag s2;
	_ =	strace s9  }
0x27: {  	s1 =	sld [smem:$0x3FAB]  }
0x28: {  	s2 =	sld [smem:$0x3FAC]  }
0x29: {  	s4 =	sld [smem:$0x3FAE]  }
0x2a: {  	p0 =	seq.s32 s5, $0x0;
	s5 =	sld [smem:$0x3FAF]  }
0x2b: {  	s6 =	sld [smem:$0x3FB0]  }
0x2c: {  	s7 =	sld [smem:$0x3FB1]  }
0x2d: {  	s3 =	simm.s32 $0x108;
	s8 =	sld [smem:$0x3FB2]  }
0x2e: {  	s3 =	simm.s32 @!p0 $0x1082;
	s9 =	sld [smem:$0x3FB3]  }
0x2f: {  	lr =	sadd.s32 s0, s3;
	s0 =	sld [smem:$0x3FAA]  }
0x30: {  	s3 =	sld [smem:$0x3FAD]  }
0x31: {  	[smem:$0x3FB6] =	sst s10  }
0x32: {  	s10 =	sld [smem:$0x3FB4];
	_ =	sdelay $0x3  }
0x33: {  	p0 =	seq.s32 s10, $0x1;
	s10 =	sld [smem:$0x3FB6];
	_ =	sdelay $0x3  }
0x34: {  	[smem:$0x3FB6] =	sst s10  }
0x35: {  	s10 =	sld [smem:$0x3FB5];
	_ =	sdelay $0x3  }
0x36: {  	p1 =	seq.s32 s10, $0x1;
	s10 =	sld [smem:$0x3FB6];
	_ =	sdelay $0x3  }
0x37: {  	[smem:$0x3FB6] =	sst s10  }
0x38: {  	s10 =	sld [smem:$0x3FB7]  }
0x39: {  	_ = 	snop;
	(pc) =	sbr.ind lr, $3  }
0x3a: {  	_ = 	snop  }
0x3b: {  	_ = 	snop  }
0x3c: {  	p2 =	seq.s32 s10, $0x1;
	s10 =	sld [smem:$0x3FB6]  }
0x3d: {  	_ =	shalt  }
0x3e: {  	_ =	shalt  }
0x3f: {  	_ =	shalt  }
0x40: {  	_ =	shalt  }
0x41: {  	_ =	shalt  }
0x42: {  	_ =	shalt  }
0x43: {  	_ =	shalt  }
0x44: {  	_ =	shalt  }
0x45: {  	_ =	shalt  }
0x46: {  	_ =	shalt  }
0x47: {  	_ =	shalt  }
0x48: {  	_ =	shalt  }
0x49: {  	_ =	shalt  }
0x4a: {  	_ =	shalt  }
0x4b: {  	_ =	shalt  }
0x4c: {  	_ =	shalt  }
0x4d: {  	_ =	shalt  }
0x4e: {  	_ =	shalt  }
0x4f: {  	_ =	shalt  }
0x50: {  	_ =	shalt  }
0x51: {  	_ =	shalt  }
0x52: {  	_ =	shalt  }
0x53: {  	_ =	shalt  }
0x54: {  	_ =	shalt  }
0x55: {  	_ =	shalt  }
0x56: {  	_ =	shalt  }
0x57: {  	_ =	shalt  }
0x58: {  	_ =	shalt  }
0x59: {  	_ =	shalt  }
0x5a: {  	_ =	shalt  }
0x5b: {  	_ =	shalt  }
0x5c: {  	_ =	shalt  }
0x5d: {  	_ =	shalt  }
0x5e: {  	_ =	shalt  }
0x5f: {  	_ =	shalt  }
0x60: {  	_ =	shalt  }
0x61: {  	_ =	shalt  }
0x62: {  	_ =	shalt  }
0x63: {  	_ =	shalt  }
0x64: {  	_ =	shalt  }
0x65: {  	_ =	shalt  }
0x66: {  	_ =	shalt  }
0x67: {  	_ =	shalt  }
0x68: {  	_ =	shalt  }
0x69: {  	_ =	shalt  }
0x6a: {  	_ =	shalt  }
0x6b: {  	_ =	shalt  }
0x6c: {  	_ =	shalt  }
0x6d: {  	_ =	shalt  }
0x6e: {  	_ =	shalt  }
0x6f: {  	_ =	shalt  }
0x70: {  	_ =	shalt  }
0x71: {  	_ =	shalt  }
0x72: {  	_ =	shalt  }
0x73: {  	_ =	shalt  }
0x74: {  	_ =	shalt  }
0x75: {  	_ =	shalt  }
0x76: {  	_ =	shalt  }
0x77: {  	_ =	shalt  }
0x78: {  	_ =	shalt  }
0x79: {  	_ =	shalt  }
0x7a: {  	_ =	shalt  }
0x7b: {  	_ =	shalt  }
0x7c: {  	_ =	shalt  }
0x7d: {  	_ =	shalt  }
0x7e: {  	_ =	shalt  }
0x7f: {  	_ =	shalt  }
0x80: {  	_ =	shalt  }
0x81: {  	_ =	shalt  }
0x82: {  	_ =	shalt  }
0x83: {  	_ =	shalt  }
0x84: {  	_ =	shalt  }
0x85: {  	_ =	shalt  }
0x86: {  	_ =	shalt  }
0x87: {  	_ =	shalt  }
.Lfunc_end0:
.L_simem_size_0:
called_computation_lowered:
.L_overlay_start_0:
0x88: {  	s2 =	sld [smem:$0x3FD9]  }
0x89: {  	s3 =	sld [smem:$0x3FFE];
	_ =	sdelay $0x1  }
0x8a: {  	s1 =	srdreg.scid  }
0x8b: {  	s0 =	sand.u32 $0x1, s1  }
0x8c: {  	s17 =	sshll.u32 s0, $0xA;
	s2 =	sadd.s32 s3, s2  }
0x8d: {  	s2 =	sadd.s32 s2, s17  }
0x8e: {  	[smem:$0x3FC2] =	sst s2  }
0x8f: {  	_ = 	snop  }
0x90: {  	s2 =	sld [smem:$0x3FD0];
	(tm) =	ssettm $0x1  }
0x91: {  	s18 =	sld [smem:$0x3FFB];
	_ =	sdelay $0x3  }
0x92: {  	_ =	strace s18  }
0x93: {  	s3 =	sld [smem:$0x3FFC];
	_ =	sdelay $0x3  }
0x94: {  	_ =	strace s3  }
0x95: {  	s3 =	sld [smem:$0x3FFD];
	_ =	sdelay $0x3  }
0x96: {  	_ =	strace s3  }
0x97: {  	_ =	strace $0x8FFFFFFF  }
0x98: {  	s19 =	sld [smem:$0x3FDB];
	_ =	sdelay $0x1  }
0x99: {  	s4 =	simm.s32 $_scs_section_size  }
0x9a: {  	s5 =	simm.s32 $_size__tile_overlayer_lowered;
	s6 =	simm.s32 $_tile_overlayer_lowered  }
0x9b: {  	s22 =	simm.s32 $0x1BFF;
	s21 =	sshll.u32 s6, $0x1;
	s3 =	sadd.s32 s4, s19  }
0x9c: {  	s7 =	simm.s32 $0x0;
	s20 =	sshll.u32 s5, $0x1;
	s5 =	sadd.s32 s21, s3  }
0x9d: {  	[timem:s7], [sflag:s22] =	dma.local [hbm:s5], s20  }
0x9e: {  	_ =	swait.ge [sflag:s22], s20  }
0x9f: {  	s4 =	ssub.s32 $0x0, s20;
	[sflag:s22] =	ssyncset.done $0x0  }
0xa0: {  	[sflag:s22] =	ssyncadd.s32 s4;
	_ =	sdelay $0x1  }
0xa1: {  	s23 =	simm.s32 $0x1B8B  }
0xa2: {  	_ =	swait.ge [sflag:s23], $0x1  }
0xa3: {  	[sflag:s23] =	ssyncset.done $0x0  }
0xa4: {  	s25 =	simm.s32 $0x1B8E;
	s24 =	sld [smem:$0x3FFE];
	[sflag:s23] =	ssyncadd.s32 $0xFFFFFFFF  }
0xa5: {  	s26 =	simm.s32 $execute0_lowered;
	[smem:$0x3FD2] =	sst s25  }
0xa6: {  	s5 =	sshll.u32 s26, $0x1;
	_ =	strace $0x80000046;
	[dreg:$0x1] =	wrdreg $0xFFFFFFFF  }
0xa7: {  	s28 =	simm.s32 $_size_execute0_lowered;
	s3 =	sadd.s32 s3, s5;
	[dreg:$0x0] =	wrdreg $0x0  }
0xa8: {  	s5 =	sshll.u32 s28, $0x1;
	[dreg:$0x2] =	wrdreg s3  }
0xa9: {  	[dreg:$0x3] =	wrdreg s5  }
0xaa: {  	[dreg:$0x4] =	wrdreg $0xC0  }
0xab: {  	_ =	task [dreg:s7], $0x5FFFF  }
0xac: {  	[dreg:$0x1] =	wrdreg $0xFFFFFFFF  }
0xad: {  	[dreg:$0x0] =	wrdreg $0x60  }
0xae: {  	[dreg:$0x2] =	wrdreg s2  }
0xaf: {  	[dreg:$0x3] =	wrdreg s24  }
0xb0: {  	[dreg:$0x4] =	wrdreg $0xB0000  }
0xb1: {  	[dreg:$0x5] =	wrdreg $0x1E8800  }
0xb2: {  	[dreg:$0x6] =	wrdreg $0x9  }
0xb3: {  	_ =	task.clear_ibuf [dreg:s7], $0x7FFFF;
	_ =	strace $0x90000046  }
0xb4: {  	s29 =	simm.s32 $0x9;
	_ =	strace $0x80000048  }
0xb5: {  	_ =	swait.ge [sflag:s29], $0x1  }
0xb6: {  	[sflag:s29] =	ssyncadd.s32 $0xFFFFFFFF  }
0xb7: {  	_ =	strace $0x90000048  }
0xb8: {  	_ =	sfence  }
0xb9: {  	s30 =	sld [smem:$0x0];
	_ =	sdelay $0x2  }
0xba: {  	s31 =	sshll.u32 s1, $0xD;
	s1 =	sshrl.u32 s1, $0x2  }
0xbb: {  	s3 =	sand.u32 $0x4000, s31;
	s1 =	sadd.s32 s1, s30  }
0xbc: {  	s0 =	sor.u32 s3, s0;
	s1 =	sshll.u32 s1, $0x11  }
0xbd: {  	s0 =	sor.u32 s1, s0  }
0xbe: {  	s0 =	sadd.s32 $0x8F2B, s0  }
0xbf: {  	[sflag:s0] =	ssyncadd.remote.s32 $0x1  }
0xc0: {  	_ =	sfence.sel $0xFFFF  }
0xc1: {  	[dreg:$0x0] =	wrdreg $0xFFFFFFFF;
	(pc) =	sbr.abs _section_cstart, $3  }
0xc2: {  	[dreg:$0x1] =	wrdreg $0xFFFFFFFF  }
0xc3: {  	_ =	task.clear_ibuf [dreg:s7], $0x2FFFF;
	_ =	strace $0x9FFFFFFF  }
0xc4: {  	(tm) =	ssettm $0x7FFFFFFF  }
0xc5: {  	_ =	shalt  }
tec
execute0_lowered:
.L_overlay_start_1:
0x0: {  	(tag) =	ssettag $0x1  }
0x1: {  	s0 =	rddreg [dreg:$0x0]  }
0x2: {  	s2 =	rddreg [dreg:$0x1]  }
0x3: {  	s4 =	srdreg.scid;
	s14 =	stileid.u32  }
0x4: {  	s1 =	rddreg [dreg:$0x2];
	s4 =	sand.u32 $0x1, s4;
	s7 =	smul.u32 $0x13800, s14  }
0x5: {  	s3 =	rddreg [dreg:$0x3];
	s5 =	simm.s32 $0x0;
	s6 =	smul.u32 $0x138800, s4  }
0x6: {  	[smem:$0x7FF] =	sst s5;
	s13 =	smul.u32 $0x4E000, s14  }
0x7: {  	s21 =	smul.u32 $0x2730, s14;
	s9 =	sshll.u32 s4, $0x4;
	s7 =	sadd.s32 s7, s6  }
0x8: {  	_ =	strace $0x80000047;
	s8 =	sor.u32 s14, s9;
	s10 =	sshrl.u32 s7, $0x3  }
0x9: {  	s6 =	sadd.s32 $0xB200, s2;
	s7 =	smul.u32 $0x2730, s8;
	s10 =	sadd.s32 s10, s2  }
0xa: {  	s8 =	sadd.s32 $0x1400, s2;
	s2 =	sadd.s32 s9, s2;
	s10 =	sadd.s32 $0x15A00, s10  }
0xb: {  	s12 =	sshrl.u32 s7, $0x3;
	s2 =	sadd.s32 $0x15000, s2;
	[dreg:$0x9] =	wrdreg s10  }
0xc: {  	s18 =	smul.u32 $0x27300, s4;
	s15 =	sadd.s32 s6, s12;
	[dreg:$0xb] =	wrdreg s2  }
0xd: {  	s29 =	sadd.s32 $0x6, s12;
	s12 =	sadd.s32 s8, s12;
	[dreg:$0x5] =	wrdreg s15  }
0xe: {  	s11 =	ssub.s32 $0x2, s4;
	s2 =	sadd.s32 s21, s18;
	[dreg:$0x6] =	wrdreg s12  }
0xf: {  	s28 =	sshrl.u32 s11, $0x1;
	s30 =	sadd.s32 s6, s29;
	[dreg:$0x14] =	wrdreg s2  }
0x10: {  	s9 =	ssub.s32 s11, s28;
	s11 =	sadd.s32 s8, s29;
	[dreg:$0x7] =	wrdreg s30  }
0x11: {  	s12 =	sshrl.u32 s13, $0x2;
	s13 =	smax.u32 s9, $0x1;
	[dreg:$0x8] =	wrdreg s11  }
0x12: {  	s17 =	sadd.s32 s12, s1;
	[dreg:$0xc] =	wrdreg s13  }
0x13: {  	s15 =	sadd.s32 $0x1800, s17;
	[dreg:$0xa] =	wrdreg s17  }
0x14: {  	s16 =	sadd.s32 $0x3000, s17;
	[dreg:$0xd] =	wrdreg s15  }
0x15: {  	s19 =	sadd.s32 $0x4800, s17;
	[dreg:$0xe] =	wrdreg s16  }
0x16: {  	s20 =	sadd.s32 $0x6000, s17;
	[dreg:$0xf] =	wrdreg s19  }
0x17: {  	s22 =	sadd.s32 $0x7800, s17;
	[dreg:$0x10] =	wrdreg s20  }
0x18: {  	s23 =	sadd.s32 $0x9000, s17;
	[dreg:$0x11] =	wrdreg s22  }
0x19: {  	s24 =	sadd.s32 $0xA800, s17;
	[dreg:$0x12] =	wrdreg s23  }
0x1a: {  	s31 =	simm.s32 $0x6000;
	s25 =	sadd.s32 $0xC000, s17;
	[dreg:$0x13] =	wrdreg s24  }
0x1b: {  	p0 =	sne.s32 s14, $0x0;
	s26 =	sadd.s32 $0xD800, s17;
	[dreg:$0x15] =	wrdreg s25  }
0x1c: {  	s4 =	simm.s32 $0xAE00;
	s28 =	sadd.s32 $0xF000, s17;
	[dreg:$0x16] =	wrdreg s26  }
0x1d: {  	s2 =	simm.s32 $0x4;
	s29 =	sadd.s32 $0x10800, s17;
	[dreg:$0x17] =	wrdreg s28  }
0x1e: {  	s11 =	simm.s32 $0x30;
	s30 =	sadd.s32 $0x12000, s17;
	[dreg:$0x18] =	wrdreg s29  }
0x1f: {  	v0 =	vimm.f32 $0.0e+00;
	s12 =	simm.s32 $0x1;
	s13 =	simm.s32 $0x2;
	[dreg:$0x19] =	wrdreg s30  }
.LBB2_1:
0x20: {  	s9 =	simm.s32 $0x0;
	s10 =	simm.s32 $0x200  }
.LBB2_2:
0x21: {  	p1 =	sne.s32 s10, $0x5E00;
	[tilespmem:s9+$0x6070] =	vst v0  }
0x22: {  	[tilespmem:s9+$0x6000] =	vst v0  }
0x23: {  	[tilespmem:s9+$0x6010] =	vst v0  }
.Ltmp0:
0x24: {  	[tilespmem:s9+$0x6020] =	vst v0;
	(pc) =	sbr.rel @p1 .LBB2_2-.Ltmp0, $4  }
0x25: {  	[tilespmem:s9+$0x6030] =	vst v0  }
0x26: {  	[tilespmem:s9+$0x6040] =	vst v0  }
0x27: {  	[tilespmem:s9+$0x6050] =	vst v0  }
0x28: {  	[tilespmem:s9+$0x6060] =	vst v0;
	s9 =	sshra.s32 s10, $0x2;
	s10 =	sadd.s32 $0x200, s10  }
0x29: {  	[tilespmem:s9+$0x6070] =	vst v0  }
0x2a: {  	[tilespmem:s9+$0x6000] =	vst v0  }
0x2b: {  	[tilespmem:s9+$0x6010] =	vst v0  }
0x2c: {  	[tilespmem:s9+$0x6020] =	vst v0  }
0x2d: {  	[tilespmem:s9+$0x6030] =	vst v0  }
0x2e: {  	[tilespmem:s9+$0x6040] =	vst v0  }
0x2f: {  	[tilespmem:s9+$0x6050] =	vst v0  }
0x30: {  	[tilespmem:s9+$0x6060] =	vst v0  }
0x31: {  	[tilespmem:$0xAE00] =	vst v0  }
0x32: {  	[tilespmem:$0xAE10] =	vst v0  }
0x33: {  	[tilespmem:$0xAE20] =	vst v0  }
0x34: {  	[tilespmem:$0xAE30] =	vst v0  }
0x35: {  	[tilespmem:$0xAE40] =	vst v0  }
0x36: {  	[tilespmem:$0xAE50] =	vst v0  }
0x37: {  	[tilespmem:$0xAE60] =	vst v0  }
0x38: {  	[tilespmem:$0xAE70] =	vst v0  }
0x39: {  	[tilespmem:$0xAE80] =	vst v0  }
0x3a: {  	[tilespmem:$0xAE90] =	vst v0  }
0x3b: {  	[tilespmem:$0xAEA0] =	vst v0  }
0x3c: {  	[tilespmem:$0xAEB0] =	vst v0  }
0x3d: {  	[tilespmem:$0xAEC0] =	vst v0  }
0x3e: {  	[tilespmem:$0xAED0] =	vst v0  }
0x3f: {  	[tilespmem:$0xAEE0] =	vst v0  }
0x40: {  	[tilespmem:$0xAEF0] =	vst v0  }
0x41: {  	[tilespmem:$0xAF00] =	vst v0  }
0x42: {  	[tilespmem:$0xAF10] =	vst v0  }
0x43: {  	[tilespmem:$0xAF20] =	vst v0  }
0x44: {  	[tilespmem:$0xAF30] =	vst v0  }
0x45: {  	[tilespmem:$0xAF40] =	vst v0  }
0x46: {  	[tilespmem:$0xAF50] =	vst v0  }
0x47: {  	[tilespmem:$0xAF60] =	vst v0  }
0x48: {  	[tilespmem:$0xAF70] =	vst v0  }
0x49: {  	[tilespmem:$0xAF80] =	vst v0  }
0x4a: {  	[spmem:s17] =	stream.linear.scatter [tilespmem:s31], [sflag:$0x4], $0x1800, $0x38;
	[tilespmem:$0x1EAF8] =	vst v63  }
0x4b: {  	_ =	swait.ge [sflag:s2], $0x1800  }
0x4c: {  	[sflag:s2] =	ssyncset.done $0x0  }
0x4d: {  	s18 =	rddreg [dreg:$0xd];
	[sflag:s2] =	ssyncadd.s32 $0xFFFFE800  }
0x4e: {  	[spmem:s18] =	stream.linear.scatter [tilespmem:s31], [sflag:$0x4], $0x1800, $0x38;
	[tilespmem:$0x1EAF8] =	vst v63  }
0x4f: {  	_ =	swait.ge [sflag:s2], $0x1800  }
0x50: {  	[sflag:s2] =	ssyncset.done $0x0  }
0x51: {  	s19 =	rddreg [dreg:$0xe];
	[sflag:s2] =	ssyncadd.s32 $0xFFFFE800  }
0x52: {  	[spmem:s19] =	stream.linear.scatter [tilespmem:s31], [sflag:$0x4], $0x1800, $0x38;
	[tilespmem:$0x1EAF8] =	vst v63  }
0x53: {  	_ =	swait.ge [sflag:s2], $0x1800  }
0x54: {  	[sflag:s2] =	ssyncset.done $0x0  }
0x55: {  	s20 =	rddreg [dreg:$0xf];
	[sflag:s2] =	ssyncadd.s32 $0xFFFFE800  }
0x56: {  	[spmem:s20] =	stream.linear.scatter [tilespmem:s31], [sflag:$0x4], $0x1800, $0x38;
	[tilespmem:$0x1EAF8] =	vst v63  }
0x57: {  	_ =	swait.ge [sflag:s2], $0x1800  }
0x58: {  	[sflag:s2] =	ssyncset.done $0x0  }
0x59: {  	s21 =	rddreg [dreg:$0x10];
	[sflag:s2] =	ssyncadd.s32 $0xFFFFE800  }
0x5a: {  	[spmem:s21] =	stream.linear.scatter [tilespmem:s31], [sflag:$0x4], $0x1800, $0x38;
	[tilespmem:$0x1EAF8] =	vst v63  }
0x5b: {  	_ =	swait.ge [sflag:s2], $0x1800  }
0x5c: {  	[sflag:s2] =	ssyncset.done $0x0  }
0x5d: {  	s22 =	rddreg [dreg:$0x11];
	[sflag:s2] =	ssyncadd.s32 $0xFFFFE800  }
0x5e: {  	[spmem:s22] =	stream.linear.scatter [tilespmem:s31], [sflag:$0x4], $0x1800, $0x38;
	[tilespmem:$0x1EAF8] =	vst v63  }
0x5f: {  	_ =	swait.ge [sflag:s2], $0x1800  }
0x60: {  	[sflag:s2] =	ssyncset.done $0x0  }
0x61: {  	s23 =	rddreg [dreg:$0x12];
	[sflag:s2] =	ssyncadd.s32 $0xFFFFE800  }
0x62: {  	[spmem:s23] =	stream.linear.scatter [tilespmem:s31], [sflag:$0x4], $0x1800, $0x38;
	[tilespmem:$0x1EAF8] =	vst v63  }
0x63: {  	_ =	swait.ge [sflag:s2], $0x1800  }
0x64: {  	[sflag:s2] =	ssyncset.done $0x0  }
0x65: {  	s24 =	rddreg [dreg:$0x13];
	[sflag:s2] =	ssyncadd.s32 $0xFFFFE800  }
0x66: {  	[spmem:s24] =	stream.linear.scatter [tilespmem:s31], [sflag:$0x4], $0x1800, $0x38;
	[tilespmem:$0x1EAF8] =	vst v63  }
0x67: {  	_ =	swait.ge [sflag:s2], $0x1800  }
0x68: {  	[sflag:s2] =	ssyncset.done $0x0  }
0x69: {  	s25 =	rddreg [dreg:$0x15];
	[sflag:s2] =	ssyncadd.s32 $0xFFFFE800  }
0x6a: {  	[spmem:s25] =	stream.linear.scatter [tilespmem:s31], [sflag:$0x4], $0x1800, $0x38;
	[tilespmem:$0x1EAF8] =	vst v63  }
0x6b: {  	_ =	swait.ge [sflag:s2], $0x1800  }
0x6c: {  	[sflag:s2] =	ssyncset.done $0x0  }
0x6d: {  	s26 =	rddreg [dreg:$0x16];
	[sflag:s2] =	ssyncadd.s32 $0xFFFFE800  }
0x6e: {  	[spmem:s26] =	stream.linear.scatter [tilespmem:s31], [sflag:$0x4], $0x1800, $0x38;
	[tilespmem:$0x1EAF8] =	vst v63  }
0x6f: {  	_ =	swait.ge [sflag:s2], $0x1800  }
0x70: {  	[sflag:s2] =	ssyncset.done $0x0  }
0x71: {  	s28 =	rddreg [dreg:$0x17];
	[sflag:s2] =	ssyncadd.s32 $0xFFFFE800  }
0x72: {  	[spmem:s28] =	stream.linear.scatter [tilespmem:s31], [sflag:$0x4], $0x1800, $0x38;
	[tilespmem:$0x1EAF8] =	vst v63  }
0x73: {  	_ =	swait.ge [sflag:s2], $0x1800  }
0x74: {  	[sflag:s2] =	ssyncset.done $0x0  }
0x75: {  	s29 =	rddreg [dreg:$0x18];
	[sflag:s2] =	ssyncadd.s32 $0xFFFFE800  }
0x76: {  	[spmem:s29] =	stream.linear.scatter [tilespmem:s31], [sflag:$0x4], $0x1800, $0x38;
	[tilespmem:$0x1EAF8] =	vst v63  }
0x77: {  	_ =	swait.ge [sflag:s2], $0x1800  }
0x78: {  	[sflag:s2] =	ssyncset.done $0x0  }
.Ltmp1:
0x79: {  	s30 =	rddreg [dreg:$0x19];
	[sflag:s2] =	ssyncadd.s32 $0xFFFFE800;
	(pc) =	sbr.rel @p0 .LBB2_7-.Ltmp1, $4  }
0x7a: {  	[spmem:s30] =	stream.linear.scatter [tilespmem:s31], [sflag:$0x4], $0x1800, $0x38;
	[tilespmem:$0x1EAF8] =	vst v63  }
0x7b: {  	_ =	swait.ge [sflag:s2], $0x1800  }
0x7c: {  	[sflag:s2] =	ssyncset.done $0x0  }
0x7d: {  	[sflag:s2] =	ssyncadd.s32 $0xFFFFE800  }
0x7e: {  	s9 =	sadd.s32 $0x0, s3  }
0x7f: {  	[spmem:s9] =	stream.linear.scatter [tilespmem:s4], [sflag:$0x4], $0x190, $0x38;
	[tilespmem:$0x1EAF8] =	vst v63  }
0x80: {  	s9 =	simm.s32 $0x640;
	_ =	swait.ge [sflag:s2], $0x190  }
.LBB2_5:
0x81: {  	s10 =	sshra.s32 s9, $0x2;
	[sflag:s2] =	ssyncset.done $0x0;
	p1 =	sne.s32 s9, $0x9600  }
.Ltmp2:
0x82: {  	s10 =	sadd.s32 s10, s3;
	[sflag:s2] =	ssyncadd.s32 $0xFFFFFE70;
	(pc) =	sbr.rel @p1 .LBB2_5-.Ltmp2, $3  }
0x83: {  	[spmem:s10] =	stream.linear.scatter [tilespmem:s4], [sflag:$0x4], $0x190, $0x38;
	[tilespmem:$0x1EAF8] =	vst v63  }
0x84: {  	s9 =	sadd.s32 $0x640, s9;
	_ =	sdelay $0x1  }
0x85: {  	_ =	swait.ge [sflag:s2], $0x190  }
0x86: {  	[sflag:s2] =	ssyncset.done $0x0  }
0x87: {  	[sflag:s2] =	ssyncadd.s32 $0xFFFFFE70  }
.LBB2_7:
0x88: {  	[bflag:$0x0] =	sbarrier.arrive $0xFFFF  }
0x89: {  	s15 =	simm.s32 $0x0;
	s10 =	simm.s32 $0xA800;
	s9 =	rddreg [dreg:$0x5]  }
0x8a: {  	[tilespmem:s10], [sflag:$0x4] =	stream.linear.gather [hbm4b:s9+s15], $0x30, $0x38;
	[tilespmem:$0x1EAF8] =	vst v63  }
0x8b: {  	_ =	swait.ge [sflag:s2], $0x30  }
0x8c: {  	[sflag:s2] =	ssyncset.done $0x0  }
0x8d: {  	s14 =	simm.s32 $0xAA00;
	s25 =	rddreg [dreg:$0x6];
	[sflag:s2] =	ssyncadd.s32 $0xFFFFFFD0  }
0x8e: {  	[tilespmem:s14], [sflag:$0x4] =	stream.linear.gather [hbm4b:s25+s15], $0x30, $0x38;
	[tilespmem:$0x1EAF8] =	vst v63  }
0x8f: {  	_ =	swait.ge [sflag:s2], $0x30  }
0x90: {  	[sflag:s2] =	ssyncset.done $0x0  }
0x91: {  	s16 =	simm.s32 $0xA880;
	s26 =	rddreg [dreg:$0x7];
	[sflag:s2] =	ssyncadd.s32 $0xFFFFFFD0  }
0x92: {  	[tilespmem:s16], [sflag:$0x3] =	stream.linear.gather [hbm4b:s26+s15], $0x30, $0x38;
	[tilespmem:$0x1EAF8] =	vst v63  }
0x93: {  	s29 =	simm.s32 $0xAA80;
	s28 =	rddreg [dreg:$0x8]  }
0x94: {  	[tilespmem:s29], [sflag:$0x3] =	stream.linear.gather [hbm4b:s28+s15], $0x30, $0x38;
	[tilespmem:$0x1EAF8] =	vst v63  }
0x95: {  	s30 =	simm.s32 $0x3000  }
0x96: {  	[tilespmem:s15], [sflag:$0x1] =	stream.indirect.gather [hbm4b:s0+s11], $0x80, s10, s11, $0xb8;
	[tilespmem:$0x1EAF8] =	vst v63  }
0x97: {  	s18 =	simm.s32 $0x0;
	s24 =	rddreg [dreg:$0x14];
	s16 =	simm.s32 $0x6000  }
0x98: {  	[tilespmem:s30], [sflag:$0x1] =	stream.indirect.gather [hbm4b:s0+s11], $0x80, s14, s11, $0xb8;
	[tilespmem:$0x1EAF8] =	vst v63  }
.LBB2_8:
0x99: {  	p1 =	seq.s32 s18, $0xD0  }
0x9a: {  	s9 =	simm.s32 @!p1 $0x3  }
0x9b: {  	_ =	swait.ge @!p1 [sflag:s9], $0x30  }
0x9c: {  	[sflag:s9] =	ssyncset.done @!p1 $0x0  }
0x9d: {  	[sflag:s9] =	ssyncadd.s32 @!p1 $0xFFFFFFD0  }
0x9e: {  	p2 =	slt.u32 @!p1 s18, $0x2;
	_ =	swait.ge @!p1 [sflag:s9], $0x30  }
0x9f: {  	p2 =	por p2, p1;
	[sflag:s9] =	ssyncset.done @!p1 $0x0  }
0xa0: {  	[sflag:s9] =	ssyncadd.s32 @!p1 $0xFFFFFFD0;
	s9 =	simm.s32 @!p2 $0x2  }
0xa1: {  	_ =	swait.ge @!p2 [sflag:s9], $0x1800  }
0xa2: {  	[sflag:s9] =	ssyncset.done @!p2 $0x0  }
0xa3: {  	[sflag:s9] =	ssyncadd.s32 @!p2 $0xFFFFE800  }
0xa4: {  	s10 =	sadd.s32 @!p1 $0x1, s18;
	_ =	swait.ge @!p2 [sflag:s9], $0x30  }
0xa5: {  	s19 =	simm.s32 @!p1 $0x30;
	s17 =	sand.u32 @!p1 $0x1, s10;
	[sflag:s9] =	ssyncset.done @!p2 $0x0  }
0xa6: {  	s10 =	sshll.u32 @!p1 s10, $0x7;
	[sflag:s9] =	ssyncadd.s32 @!p2 $0xFFFFFFD0;
	p2 =	seq.s32 @!p1 s17, $0x1  }
0xa7: {  	s9 =	sand.u32 @!p1 $0x180, s10;
	s10 =	simm.s32 @!p1 $0x1800;
	p2 =	por !p2, p1  }
0xa8: {  	s17 =	sor.u32 @!p1 $0xA800, s9;
	s10 =	simm.s32 @p2 $0x0;
	p2 =	sgt.u32 @!p1 s18, $0xCE  }
0xa9: {  	[tilespmem:s10], [sflag:$0x1] =	stream.indirect.gather @!p1 [hbm4b:s0+s19], $0x80, s17, s19, $0xb8;
	[tilespmem:$0x1EAF8] =	vst v63  }
0xaa: {  	p2 =	por p2, p1  }
0xab: {  	s17 =	sadd.s32 @!p2 $0x2, s18  }
0xac: {  	s9 =	sor.u32 @!p1 $0xAA00, s9;
	s10 =	sadd.s32 @!p1 $0x3000, s10;
	s20 =	smul.u32 @!p2 $0x30, s17  }
0xad: {  	[tilespmem:s10], [sflag:$0x1] =	stream.indirect.gather @!p1 [hbm4b:s0+s19], $0x80, s9, s19, $0xb8;
	[tilespmem:$0x1EAF8] =	vst v63  }
0xae: {  	s9 =	sshll.u32 @!p2 s17, $0x7;
	s10 =	sadd.s32 @!p2 s7, s20  }
0xaf: {  	s9 =	sand.u32 @!p2 $0x180, s9;
	s10 =	sshrl.u32 @!p2 s10, $0x3  }
0xb0: {  	s17 =	sor.u32 @!p2 $0xA800, s9;
	s20 =	simm.s32 @!p2 $0x0;
	s19 =	sadd.s32 @!p2 s6, s10  }
0xb1: {  	[tilespmem:s17], [sflag:$0x3] =	stream.linear.gather @!p2 [hbm4b:s19+s20], $0x30, $0x38;
	[tilespmem:$0x1EAF8] =	vst v63  }
0xb2: {  	s22 =	sand.u32 $0x1, s18;
	s9 =	sor.u32 @!p2 $0xAA00, s9;
	s10 =	sadd.s32 @!p2 s8, s10  }
0xb3: {  	[tilespmem:s9], [sflag:$0x3] =	stream.linear.gather @!p2 [hbm4b:s10+s20], $0x30, $0x38;
	[tilespmem:$0x1EAF8] =	vst v63  }
0xb4: {  	p1 =	seq.s32 s22, $0x1;
	s9 =	simm.s32 $0x1800  }
0xb5: {  	s9 =	simm.s32 @!p1 $0x0  }
0xb6: {  	_ =	swait.ge [sflag:s12], $0x1800;
	s23 =	sadd.s32 $0x3080, s9  }
0xb7: {  	[sflag:s12] =	ssyncset.done $0x0;
	s9 =	sor.u32 $0x80, s9;
	v3 =	vmov s23  }
0xb8: {  	[sflag:s12] =	ssyncadd.s32 $0xFFFFE800;
	v5 =	vmov s9  }
0xb9: {  	_ =	swait.ge [sflag:s12], $0x1800  }
0xba: {  	[sflag:s12] =	ssyncset.done $0x0  }
0xbb: {  	s20 =	simm.s32 $0x0;
	[sflag:s12] =	ssyncadd.s32 $0xFFFFE800  }
0xbc: {  	v1 =	vld.idx.msk [tilespmem:v3+s20+$0x0 ss:$0x1], $0xffff  }
0xbd: {  	v2 =	vld.idx.msk [tilespmem:v5+s20+$0x10 ss:$0x1], $0xffff  }
0xbe: {  	v6 =	vld.idx.msk [tilespmem:v3+s20+$0x60 ss:$0x1], $0xffff  }
0xbf: {  	v39 =	vld.idx.msk [tilespmem:v5+s20+$0x0 ss:$0x1], $0xffff  }
0xc0: {  	v4 =	vld.idx.msk [tilespmem:v3+s20+$0xFFFFFF90 ss:$0x1], $0xffff  }
0xc1: {  	v7 =	vld.idx.msk [tilespmem:v3+s20+$0xFFFFFF80 ss:$0x1], $0xffff  }
0xc2: {  	v8 =	vld.idx.msk [tilespmem:v3+s20+$0xFFFFFFB0 ss:$0x1], $0xffff  }
0xc3: {  	v9 =	vld.idx.msk [tilespmem:v3+s20+$0xFFFFFFF0 ss:$0x1], $0xffff  }
0xc4: {  	v10 =	vld.idx.msk [tilespmem:v3+s20+$0xFFFFFFA0 ss:$0x1], $0xffff  }
0xc5: {  	v11 =	vld.idx.msk [tilespmem:v3+s20+$0xFFFFFFE0 ss:$0x1], $0xffff  }
0xc6: {  	v12 =	vld.idx.msk [tilespmem:v3+s20+$0x50 ss:$0x1], $0xffff  }
0xc7: {  	v13 =	vld.idx.msk [tilespmem:v3+s20+$0xFFFFFFC0 ss:$0x1], $0xffff  }
0xc8: {  	v14 =	vld.idx.msk [tilespmem:v3+s20+$0x40 ss:$0x1], $0xffff  }
0xc9: {  	v27 =	vld.idx.msk [tilespmem:v5+s20+$0xFFFFFF90 ss:$0x1], $0xffff  }
0xca: {  	v30 =	vld.idx.msk [tilespmem:v5+s20+$0xFFFFFF80 ss:$0x1], $0xffff  }
0xcb: {  	v37 =	vld.idx.msk [tilespmem:v5+s20+$0xFFFFFFA0 ss:$0x1], $0xffff  }
0xcc: {  	v26 =	vld.idx.msk [tilespmem:v5+s20+$0xFFFFFFB0 ss:$0x1], $0xffff  }
0xcd: {  	v40 =	vld.idx.msk [tilespmem:v5+s20+$0x20 ss:$0x1], $0xffff  }
0xce: {  	v34 =	vld.idx.msk [tilespmem:v5+s20+$0xFFFFFFF0 ss:$0x1], $0xffff  }
0xcf: {  	v36 =	vld.idx.msk [tilespmem:v5+s20+$0xFFFFFFE0 ss:$0x1], $0xffff  }
0xd0: {  	v43 =	vld.idx.msk [tilespmem:v5+s20+$0xFFFFFFC0 ss:$0x1], $0xffff  }
0xd1: {  	v46 =	vld.idx.msk [tilespmem:v5+s20+$0xFFFFFFD0 ss:$0x1], $0xffff  }
0xd2: {  	v15 =	vld.idx.msk [tilespmem:v3+s20+$0xFFFFFFD0 ss:$0x1], $0xffff  }
0xd3: {  	v16 =	vld.idx.msk [tilespmem:v3+s20+$0x10 ss:$0x1], $0xffff  }
0xd4: {  	v42 =	vld.idx.msk [tilespmem:v5+s20+$0x40 ss:$0x1], $0xffff  }
0xd5: {  	v44 =	vld.idx.msk [tilespmem:v5+s20+$0x50 ss:$0x1], $0xffff;
	v7 =	vmul.f32 v7, v30;
	v4 =	vmul.f32 v4, v27  }
0xd6: {  	v25 =	vld.idx.msk [tilespmem:v5+s20+$0x60 ss:$0x1], $0xffff;
	v10 =	vmul.f32 v10, v37;
	v8 =	vmul.f32 v8, v26  }
0xd7: {  	v17 =	vld.idx.msk [tilespmem:v3+s20+$0x20 ss:$0x1], $0xffff;
	v9 =	vmul.f32 v9, v34;
	v11 =	vmul.f32 v11, v36  }
0xd8: {  	v23 =	vld.idx.msk [tilespmem:v5+s20+$0x70 ss:$0x1], $0xffff;
	v13 =	vmul.f32 v13, v43;
	v15 =	vmul.f32 v15, v46  }
0xd9: {  	v45 =	vld.idx.msk [tilespmem:v5+s20+$0x30 ss:$0x1], $0xffff;
	v4 =	vadd.f32 v4, v7;
	v7 =	vadd.f32 v8, v10  }
0xda: {  	v8 =	vadd.f32 v9, v11;
	v9 =	vld.idx.msk [tilespmem:v3+s20+$0x70 ss:$0x1], $0xffff;
	v10 =	vadd.f32 v15, v13  }
0xdb: {  	s19 =	simm.s32 $0x100;
	v4 =	vadd.f32 v7, v4;
	v7 =	vld.idx.msk [tilespmem:v3+s20+$0x30 ss:$0x1], $0xffff  }
0xdc: {  	v21 =	vld.idx.msk [tilespmem:v3+s19+$0x0 ss:$0x1], $0xffff;
	v8 =	vadd.f32 v8, v10  }
0xdd: {  	v24 =	vld.idx.msk [tilespmem:v3+s19+$0x60 ss:$0x1], $0xffff;
	v12 =	vmul.f32 v12, v44;
	v6 =	vmul.f32 v6, v25  }
0xde: {  	v18 =	vld.idx.msk [tilespmem:v3+s19+$0xFFFFFFB0 ss:$0x1], $0xffff;
	v11 =	vmul.f32 v16, v2;
	v13 =	vmul.f32 v14, v42;
	v8 =	vadd.f32 v8, v4  }
0xdf: {  	v28 =	vld.idx.msk [tilespmem:v3+s19+$0xFFFFFFF0 ss:$0x1], $0xffff;
	v14 =	vmul.f32 v17, v40;
	v10 =	vmul.f32 v1, v39  }
0xe0: {  	v29 =	vld.idx.msk [tilespmem:v3+s19+$0xFFFFFFA0 ss:$0x1], $0xffff;
	(xrf2) =	vadd.scan.msk.f32 $0xffff, v8;
	v8 =	vmul.f32 v9, v23;
	v7 =	vmul.f32 v7, v45  }
0xe1: {  	v31 =	vld.idx.msk [tilespmem:v3+s19+$0xFFFFFFE0 ss:$0x1], $0xffff;
	v10 =	vadd.f32 v11, v10;
	v11 =	vadd.f32 v12, v13  }
0xe2: {  	v32 =	vld.idx.msk [tilespmem:v3+s19+$0x50 ss:$0x1], $0xffff;
	v6 =	vadd.f32 v8, v6;
	v7 =	vadd.f32 v7, v14  }
0xe3: {  	v33 =	vld.idx.msk [tilespmem:v3+s19+$0xFFFFFFC0 ss:$0x1], $0xffff  }
0xe4: {  	v35 =	vld.idx.msk [tilespmem:v3+s19+$0x40 ss:$0x1], $0xffff;
	v6 =	vadd.f32 v6, v11;
	v7 =	vadd.f32 v7, v10  }
0xe5: {  	v20 =	vld.idx.msk [tilespmem:v5+s19+$0xFFFFFF90 ss:$0x1], $0xffff  }
0xe6: {  	v22 =	vld.idx.msk [tilespmem:v5+s19+$0xFFFFFF80 ss:$0x1], $0xffff;
	v6 =	vadd.f32 v6, v7  }
0xe7: {  	v19 =	vld.idx.msk [tilespmem:v5+s19+$0xFFFFFFC0 ss:$0x1], $0xffff  }
0xe8: {  	v38 =	vld.idx.msk [tilespmem:v3+s19+$0x10 ss:$0x1], $0xffff  }
0xe9: {  	v41 =	vld.idx.msk [tilespmem:v3+s19+$0xFFFFFFD0 ss:$0x1], $0xffff;
	(xrf2) =	vadd.scan.msk.f32 $0xffff, v6  }
0xea: {  	v47 =	vld.idx.msk [tilespmem:v3+s19+$0x20 ss:$0x1], $0xffff;
	v6, _, _ =	vpop (xrf2)  }
0xeb: {  	s9 =	simm.s32 $0x200;
	v59 =	vld.idx.msk [tilespmem:v3+s19+$0x30 ss:$0x1], $0xffff;
	(v2sf) =	vpush v6, $0xF  }
0xec: {  	v48 =	vld.idx.msk [tilespmem:v3+s9+$0x0 ss:$0x1], $0xffff  }
0xed: {  	v49 =	vld.idx.msk [tilespmem:v3+s9+$0xFFFFFF90 ss:$0x1], $0xffff  }
0xee: {  	v17 =	vld.idx.msk [tilespmem:v3+s19+$0xFFFFFF80 ss:$0x1], $0xffff  }
0xef: {  	v15 =	vld.idx.msk [tilespmem:v5+s19+$0xFFFFFFA0 ss:$0x1], $0xffff  }
0xf0: {  	v16 =	vld.idx.msk [tilespmem:v5+s19+$0xFFFFFFB0 ss:$0x1], $0xffff  }
0xf1: {  	v12 =	vld.idx.msk [tilespmem:v5+s19+$0xFFFFFFF0 ss:$0x1], $0xffff  }
0xf2: {  	v13 =	vld.idx.msk [tilespmem:v5+s19+$0xFFFFFFE0 ss:$0x1], $0xffff  }
0xf3: {  	v9 =	vld.idx.msk [tilespmem:v3+s19+$0xFFFFFF90 ss:$0x1], $0xffff;
	v6, _, _ =	vpop (xrf2)  }
0xf4: {  	v14 =	vld.idx.msk [tilespmem:v5+s19+$0xFFFFFFD0 ss:$0x1], $0xffff;
	(v2sf) =	vpush v6, $0xF  }
0xf5: {  	v1 =	vld.idx.msk [tilespmem:v5+s19+$0x10 ss:$0x1], $0xffff  }
0xf6: {  	v33 =	vmul.f32 v33, v19;
	v4 =	vld.idx.msk [tilespmem:v5+s19+$0x0 ss:$0x1], $0xffff;
	v17 =	vmul.f32 v17, v22  }
0xf7: {  	v29 =	vmul.f32 v29, v15;
	v8 =	vld.idx.msk [tilespmem:v5+s19+$0x50 ss:$0x1], $0xffff;
	v28 =	vmul.f32 v28, v12  }
0xf8: {  	v31 =	vmul.f32 v31, v13;
	v11 =	vld.idx.msk [tilespmem:v5+s19+$0x40 ss:$0x1], $0xffff;
	v9 =	vmul.f32 v9, v20  }
0xf9: {  	v18 =	vmul.f32 v18, v16;
	v10 =	vld.idx.msk [tilespmem:v5+s19+$0x60 ss:$0x1], $0xffff;
	v41 =	vmul.f32 v41, v14  }
0xfa: {  	v28 =	vadd.f32 v28, v31;
	v7 =	vld.idx.msk [tilespmem:v5+s19+$0x20 ss:$0x1], $0xffff;
	v9 =	vadd.f32 v9, v17;
	s25 =	spop (v2sf)  }
0xfb: {  	v17 =	vadd.f32 v18, v29;
	v29 =	vld.idx.msk [tilespmem:v3+s19+$0x70 ss:$0x1], $0xffff;
	v31 =	vadd.f32 v41, v33;
	s26 =	smul.f32 $2.000000030e-01, s25  }
0xfc: {  	v18 =	vld.idx.msk [tilespmem:v5+s19+$0x30 ss:$0x1], $0xffff  }
0xfd: {  	v17 =	vadd.f32 v17, v9;
	v28 =	vadd.f32 v28, v31;
	v6 =	vld.idx.msk [tilespmem:v5+s19+$0x70 ss:$0x1], $0xffff;
	s10 =	smax.f32 s25, s26  }
0xfe: {  	v50 =	vld.idx.msk [tilespmem:v3+s9+$0xFFFFFF80 ss:$0x1], $0xffff;
	v38 =	vmul.f32 v38, v1;
	v31 =	vmul.f32 v21, v4;
	v21 =	vmov s10  }
0xff: {  	v51 =	vld.idx.msk [tilespmem:v3+s9+$0xFFFFFFB0 ss:$0x1], $0xffff;
	v32 =	vmul.f32 v32, v8;
	v17 =	vadd.f32 v28, v17;
	v28 =	vmul.f32 $1.442695020e+00, v21  }
0x100: {  	v52 =	vld.idx.msk [tilespmem:v3+s9+$0xFFFFFFF0 ss:$0x1], $0xffff;
	v60 =	vmul.f32 v35, v11;
	v24 =	vmul.f32 v24, v10  }
0x101: {  	v61 =	vld.idx.msk [tilespmem:v3+s9+$0xFFFFFFA0 ss:$0x1], $0xffff;
	v47 =	vmul.f32 v47, v7;
	(xrf2) =	vadd.scan.msk.f32 $0xffff, v17;
	v17 =	vbroadcast v28, $0x0  }
0x102: {  	v53 =	vld.idx.msk [tilespmem:v3+s9+$0xFFFFFFE0 ss:$0x1], $0xffff;
	v28 =	vmul.f32 v29, v6;
	v29 =	vmul.f32 v59, v18  }
0x103: {  	v54 =	vld.idx.msk [tilespmem:v3+s9+$0xFFFFFFC0 ss:$0x1], $0xffff;
	v32 =	vadd.f32 v32, v60;
	v31 =	vadd.f32 v38, v31;
	s29 =	spop (v2sf)  }
0x104: {  	v57 =	vld.idx.msk [tilespmem:v3+s9+$0x40 ss:$0x1], $0xffff;
	(erf) = vpow2.f32 v17;
	v17 =	vadd.f32 v28, v24;
	v24 =	vadd.f32 v29, v47;
	s14 =	smul.f32 $2.000000030e-01, s29  }
0x105: {  	v9 =	vld.idx.msk [tilespmem:v5+s9+$0x10 ss:$0x1], $0xffff  }
0x106: {  	v35 =	vld.idx.msk [tilespmem:v3+s9+$0x60 ss:$0x1], $0xffff;
	v17 =	vadd.f32 v17, v32;
	v24 =	vadd.f32 v24, v31;
	s10 =	smax.f32 s29, s14  }
0x107: {  	s21 =	smulhi.u32 $0xAAAAAAAB, s18;
	v41 =	vld.idx.msk [tilespmem:v3+s9+$0x50 ss:$0x1], $0xffff;
	v28 =	vmov s10  }
0x108: {  	v33 =	vld.idx.msk [tilespmem:v5+s9+$0xFFFFFFA0 ss:$0x1], $0xffff;
	v17 =	vadd.f32 v17, v24;
	v28 =	vmul.f32 $1.442695020e+00, v28  }
0x109: {  	s22 =	sshrl.u32 s21, $0x1;
	v32 =	vld.idx.msk [tilespmem:v5+s9+$0xFFFFFFB0 ss:$0x1], $0xffff  }
0x10a: {  	s10 =	smul.u32 $0xFFFEE000, s22;
	(xrf2) =	vadd.scan.msk.f32 $0xffff, v17;
	v17 =	vbroadcast v28, $0x0;
	v28 =	vld.idx.msk [tilespmem:v5+s9+$0xFFFFFF80 ss:$0x1], $0xffff  }
0x10b: {  	s23 =	sadd.s32 $0x0, s24;
	v29, _, _ =	vpop (xrf2);
	v24 =	vld.idx.msk [tilespmem:v5+s9+$0xFFFFFF90 ss:$0x1], $0xffff  }
0x10c: {  	s17 =	simm.f32 $1.000000000e+00;
	p1 =	slt.u32 s23, $0x4E200;
	v21 =	vld.idx.msk [tilespmem:v5+s9+$0x0 ss:$0x1], $0xffff;
	(v2sf) =	vpush v29, $0xF;
	s10 =	sshra.s32 s10, $0x2  }
0x10d: {  	s17 =	simm.s32 @!p1 $0x0;
	v31 =	vld.idx.msk [tilespmem:v5+s9+$0x20 ss:$0x1], $0xffff;
	s10 =	sadd.s32 s10, s16;
	v29 =	vpop (erf)  }
0x10e: {  	(erf) = vpow2.f32 v17;
	v17 =	vmov s10;
	v38 =	vmul.f32 s17, v29;
	v29 =	vld.idx.msk [tilespmem:v5+s9+$0xFFFFFFF0 ss:$0x1], $0xffff  }
0x10f: {  	v62 =	vmul.f32 v50, v28;
	v50 =	vmul.f32 v51, v32;
	v51 =	vld.idx.msk [tilespmem:v3+s9+$0x10 ss:$0x1], $0xffff  }
0x110: {  	v49 =	vmul.f32 v49, v24;
	v55 =	vmul.f32 v38, v30;
	v30 =	vld.idx.msk [tilespmem:v5+s9+$0xFFFFFFE0 ss:$0x1], $0xffff  }
0x111: {  	s25 =	smul.u32 $0xAB, s18;
	v56 =	vmul.f32 v38, v46;
	v58 =	vmul.f32 v38, v26;
	v26 =	vld.idx.msk [tilespmem:v5+s9+$0xFFFFFFC0 ss:$0x1], $0xffff  }
0x112: {  	v63 =	vmul.f32 v38, v27;
	v27 =	vld.idx.msk [tilespmem:v5+s9+$0xFFFFFFD0 ss:$0x1], $0xffff;
	v37 =	vmul.f32 v38, v37  }
0x113: {  	s10 =	sshrl.u32 s25, $0x9;
	v46 =	vadd.f32 v49, v62;
	v49 =	vmul.f32 v38, v34;
	v34 =	vld.idx.msk [tilespmem:v5+s9+$0x40 ss:$0x1], $0xffff;
	[tilespmem:v17+s20+$0x0 ss:$0x1] =	vst.idx.msk $0xffff, v55  }
0x114: {  	v47 =	vmul.f32 v61, v33;
	v60 =	vmul.f32 v48, v21;
	s10 =	sand.u32 $0x7F, s10;
	v55 =	vld.idx.msk [tilespmem:v3+s9+$0xFFFFFFD0 ss:$0x1], $0xffff;
	[tilespmem:v17+s20+$0x10 ss:$0x1] =	vst.idx.msk $0xffff, v63  }
0x115: {  	s10 =	smul.u32 $0x3, s10;
	v59 =	vmul.f32 v38, v43;
	v52 =	vmul.f32 v52, v29;
	v43, _, _ =	vpop (xrf2);
	[tilespmem:v17+s20+$0x20 ss:$0x1] =	vst.idx.msk $0xffff, v37;
	v37 =	vld.idx.msk [tilespmem:v5+s9+$0x50 ss:$0x1], $0xffff  }
0x116: {  	v51 =	vmul.f32 v51, v9;
	(v2sf) =	vpush v43, $0xF;
	[tilespmem:v17+s20+$0x30 ss:$0x1] =	vst.idx.msk $0xffff, v58;
	v58 =	vmul.f32 v53, v30  }
0x117: {  	s10 =	ssub.s32 s18, s10;
	v61 =	vmul.f32 v54, v26;
	v54 =	vld.idx.msk [tilespmem:v3+s9+$0x20 ss:$0x1], $0xffff;
	v48 =	vpop (erf);
	[tilespmem:v17+s20+$0x40 ss:$0x1] =	vst.idx.msk $0xffff, v59;
	v59 =	vmul.f32 v38, v36  }
0x118: {  	s10 =	sand.u32 $0xFF, s10;
	v53 =	vadd.f32 v50, v47;
	v36 =	vld.idx.msk [tilespmem:v5+s9+$0x60 ss:$0x1], $0xffff;
	v57 =	vmul.f32 v57, v34;
	v43 =	vmul.f32 s17, v48  }
0x119: {  	s28 =	simm.s32 $0xC00;
	s23 =	simm.s32 $0x2;
	v62 =	vmov s15;
	s26 =	smul.u32 $0x6000, s10;
	[tilespmem:v17+s20+$0x50 ss:$0x1] =	vst.idx.msk $0xffff, v56;
	v63 =	vmul.f32 v55, v27;
	v56 =	vadd.f32 v52, v58;
	v55 =	vld.idx.msk [tilespmem:v3+s9+$0x70 ss:$0x1], $0xffff  }
0x11a: {  	s22 =	simm.s32 $0x4;
	s25 =	simm.s32 $0x0;
	s29 =	sshll.u32 s10, $0x7;
	v52 =	vand.u32 $0xFFFFFFFE, v62;
	[tilespmem:v17+s20+$0x60 ss:$0x1] =	vst.idx.msk $0xffff, v59;
	v50 =	vmul.f32 v43, v39;
	v44 =	vmul.f32 v43, v44  }
0x11b: {  	s21 =	sadd.s32 $0xAC00, s29;
	s30 =	spop (v2sf);
	s17 =	sshrl.u32 s26, $0x2;
	v48 =	vmul.f32 v43, v45;
	v39 =	vld.idx.msk [tilespmem:v5+s9+$0x70 ss:$0x1], $0xffff;
	[tilespmem:v17+s20+$0x70 ss:$0x1] =	vst.idx.msk $0xffff, v49;
	v47 =	vmul.f32 v43, v40  }
0x11c: {  	s26 =	simm.s32 $0x6;
	s10 =	sadd.s32 $0x6000, s17;
	s17 =	smul.f32 $2.000000030e-01, s30;
	v49 =	vadd.f32 v51, v60;
	v58 =	vadd.f32 v63, v61;
	v40 =	vld.idx.msk [tilespmem:v5+s9+$0x30 ss:$0x1], $0xffff;
	v51 =	vmul.f32 v43, v42  }
.LBB2_9:
0x11d: {  	s29 =	sshra.s32 s28, $0x2;
	v53 =	vadd.f32 v53, v46;
	v41 =	vmul.f32 v41, v37;
	v60 =	vmul.f32 v43, v2  }
0x11e: {  	p1 =	slt.u32 s26, $0x2E;
	v59 =	vld.idx.msk [tilespmem:v3+s9+$0x30 ss:$0x1], $0xffff;
	v2 =	vmovc v1;
	v1 =	vmovc v9;
	v42 =	vmov v21;
	v46 =	vmov v15;
	v15 =	vmov v33;
	s14 =	smov.u32 s26;
	s26 =	sadd.s32 $0x2, s26  }
0x11f: {  	v25 =	vmul.f32 v43, v25;
	v45 =	vld.idx.msk [tilespmem:v3+s29+$0x0 ss:$0x1], $0xffff;
	v21 =	vadd.f32 v56, v58;
	s17 =	smax.f32 s30, s17;
	[tilespmem:v17+s20+$0x80 ss:$0x1] =	vst.idx.msk $0xffff, v50  }
0x120: {  	v33 =	vmul.f32 v54, v31;
	v9 =	vld.idx.msk [tilespmem:v5+s29+$0x10 ss:$0x1], $0xffff;
	v41 =	vadd.f32 v41, v57;
	v50 =	vmov s17;
	[tilespmem:v17+s20+$0x90 ss:$0x1] =	vst.idx.msk $0xffff, v60  }
0x121: {  	v52 =	vbroadcast v52, $0x0;
	s17 =	sadd.s32 $0x1, s25;
	s25 =	smov.u32 s23;
	s23 =	smov.u32 s22;
	v54 =	vld.idx.msk [tilespmem:v3+s29+$0x60 ss:$0x1], $0xffff;
	v53 =	vadd.f32 v21, v53;
	v50 =	vmul.f32 $1.442695020e+00, v50;
	[tilespmem:v17+s20+$0xA0 ss:$0x1] =	vst.idx.msk $0xffff, v47  }
0x122: {  	v35 =	vmul.f32 v35, v36;
	s22 =	smov.u32 s14;
	v57 =	vmul.f32 v55, v39;
	v21 =	vld.idx.msk [tilespmem:v5+s29+$0x0 ss:$0x1], $0xffff;
	[tilespmem:v17+s20+$0xB0 ss:$0x1] =	vst.idx.msk $0xffff, v48;
	v48 =	vmov s17  }
0x123: {  	v23 =	vmul.f32 v43, v23;
	v55 =	vld.idx.msk [tilespmem:v3+s29+$0xFFFFFF90 ss:$0x1], $0xffff;
	(xrf2) =	vadd.scan.msk.f32 $0xffff, v53;
	v56 =	vbroadcast v50, $0x0;
	[tilespmem:v17+s20+$0xC0 ss:$0x1] =	vst.idx.msk $0xffff, v51  }
0x124: {  	v53 =	vmul.f32 v59, v40;
	v57 =	vadd.f32 v57, v35;
	v51 =	vld.idx.msk [tilespmem:v3+s29+$0xFFFFFF80 ss:$0x1], $0xffff;
	[tilespmem:v17+s20+$0xD0 ss:$0x1] =	vst.idx.msk $0xffff, v44  }
0x125: {  	v47 =	vmovc v7;
	v7 =	vmov v31;
	v44 =	vld.idx.msk [tilespmem:v3+s29+$0xFFFFFFB0 ss:$0x1], $0xffff;
	(erf) = vpow2.f32 v56;
	s14 =	spop (v2sf);
	[tilespmem:v17+s20+$0xE0 ss:$0x1] =	vst.idx.msk $0xffff, v25;
	v50 =	vmov v32  }
0x126: {  	v32 =	vadd.f32 v53, v33;
	v31 =	vadd.f32 v57, v41;
	v56 =	vld.idx.msk [tilespmem:v3+s29+$0xFFFFFFF0 ss:$0x1], $0xffff;
	s17 =	smul.f32 $2.000000030e-01, s14;
	[tilespmem:v17+s20+$0xF0 ss:$0x1] =	vst.idx.msk $0xffff, v23;
	s20 =	smov.u32 s19;
	s19 =	smov.u32 s9  }
0x127: {  	v35 =	vmovc v54;
	s9 =	smov.u32 s29;
	v53 =	vld.idx.msk [tilespmem:v3+s29+$0xFFFFFFA0 ss:$0x1], $0xffff;
	[tilespmem:v48+s21+$0x0] =	vst.idx.msk $0x1, v43;
	v43 =	vmov v12;
	v12 =	vmov v29;
	v48 =	vmov v13  }
0x128: {  	v59 =	vmov v11;
	v32 =	vadd.f32 v32, v49;
	v13 =	vmov v30;
	v54 =	vld.idx.msk [tilespmem:v3+s9+$0xFFFFFFE0 ss:$0x1], $0xffff;
	s14 =	smax.f32 s14, s17;
	[tilespmem:v52+s21+$0x0] =	vst.idx.msk $0x1, v38  }
0x129: {  	v11 =	vmovc v34;
	v25 =	vmovc v10;
	v49 =	vmov v8;
	v8 =	vmov v37;
	v41 =	vld.idx.msk [tilespmem:v3+s9+$0x50 ss:$0x1], $0xffff;
	v29 =	vmov s14  }
0x12a: {  	v10 =	vmovc v36;
	v23 =	vmovc v6;
	v6 =	vmov v39;
	v31 =	vadd.f32 v31, v32;
	v37 =	vld.idx.msk [tilespmem:v3+s9+$0xFFFFFFC0 ss:$0x1], $0xffff;
	v29 =	vmul.f32 $1.442695020e+00, v29  }
0x12b: {  	v39 =	vmov v18;
	v18 =	vmov v40;
	v57 =	vld.idx.msk [tilespmem:v3+s9+$0x40 ss:$0x1], $0xffff  }
0x12c: {  	s14 =	sadd.s32 s25, s24;
	v34 =	vld.idx.msk [tilespmem:v5+s9+$0xFFFFFF90 ss:$0x1], $0xffff;
	(xrf2) =	vadd.scan.msk.f32 $0xffff, v31;
	v29 =	vbroadcast v29, $0x0  }
0x12d: {  	p2 =	slt.u32 s14, $0x4E200;
	s14 =	simm.f32 $1.000000000e+00;
	v36 =	vld.idx.msk [tilespmem:v5+s9+$0xFFFFFF80 ss:$0x1], $0xffff;
	v30, _, _ =	vpop (xrf2)  }
0x12e: {  	s14 =	simm.s32 @!p2 $0x0;
	v33 =	vld.idx.msk [tilespmem:v5+s9+$0xFFFFFFA0 ss:$0x1], $0xffff;
	(v2sf) =	vpush v30, $0xF;
	v30 =	vpop (erf);
	(erf) = vpow2.f32 v29  }
0x12f: {  	v32 =	vld.idx.msk [tilespmem:v5+s9+$0xFFFFFFB0 ss:$0x1], $0xffff;
	v38 =	vmul.f32 s14, v30  }
0x130: {  	v31 =	vld.idx.msk [tilespmem:v5+s9+$0x20 ss:$0x1], $0xffff  }
0x131: {  	v29 =	vld.idx.msk [tilespmem:v5+s9+$0xFFFFFFF0 ss:$0x1], $0xffff;
	v40 =	vmul.f32 v38, v22;
	v52 =	vmul.f32 v38, v14;
	v22 =	vmovc v28;
	v14 =	vmov v27  }
0x132: {  	v28 =	vmul.f32 v38, v16;
	v58 =	vmul.f32 v38, v19;
	v16 =	vmovc v50;
	v19 =	vmov v26;
	v30 =	vld.idx.msk [tilespmem:v5+s9+$0xFFFFFFE0 ss:$0x1], $0xffff  }
0x133: {  	v62 =	vmul.f32 v51, v36;
	v26 =	vld.idx.msk [tilespmem:v5+s9+$0xFFFFFFC0 ss:$0x1], $0xffff;
	[tilespmem:v17+s20+$0x0 ss:$0x1] =	vst.idx.msk $0xffff, v40;
	v40 =	vmul.f32 v38, v20  }
0x134: {  	v51 =	vmul.f32 v55, v34;
	v55 =	vmul.f32 v38, v46;
	v20 =	vmovc v24;
	v24 =	vmov v34;
	v27 =	vld.idx.msk [tilespmem:v5+s9+$0xFFFFFFD0 ss:$0x1], $0xffff  }
0x135: {  	v34 =	vmul.f32 v53, v33;
	v44 =	vmul.f32 v44, v32;
	v60 =	vld.idx.msk [tilespmem:v3+s9+$0x10 ss:$0x1], $0xffff;
	[tilespmem:v17+s20+$0x10 ss:$0x1] =	vst.idx.msk $0xffff, v40;
	v40 =	vmov s25  }
0x136: {  	v46 =	vadd.f32 v51, v62;
	v51 =	vmul.f32 v38, v43;
	v61 =	vld.idx.msk [tilespmem:v3+s9+$0xFFFFFFD0 ss:$0x1], $0xffff;
	v50, _, _ =	vpop (xrf2);
	[tilespmem:v17+s20+$0x20 ss:$0x1] =	vst.idx.msk $0xffff, v55  }
0x137: {  	v45 =	vmul.f32 v45, v21;
	v55 =	vmul.f32 v56, v29;
	(v2sf) =	vpush v50, $0xF;
	[tilespmem:v17+s20+$0x30 ss:$0x1] =	vst.idx.msk $0xffff, v28;
	v28 =	vpop (erf)  }
0x138: {  	v53 =	vadd.f32 v44, v34;
	v56 =	vmul.f32 v54, v30;
	v34 =	vld.idx.msk [tilespmem:v5+s9+$0x40 ss:$0x1], $0xffff;
	v43 =	vmul.f32 s14, v28;
	v28 =	vmovc v36  }
0x139: {  	v48 =	vmul.f32 v38, v48;
	v62 =	vmul.f32 v37, v26;
	v37 =	vld.idx.msk [tilespmem:v5+s9+$0x50 ss:$0x1], $0xffff;
	[tilespmem:v17+s20+$0x40 ss:$0x1] =	vst.idx.msk $0xffff, v58  }
.Ltmp3:
0x13a: {  	v36 =	vld.idx.msk [tilespmem:v5+s9+$0x60 ss:$0x1], $0xffff;
	[tilespmem:v17+s20+$0x50 ss:$0x1] =	vst.idx.msk $0xffff, v52;
	v50 =	vmul.f32 v43, v4;
	v44 =	vmul.f32 v43, v49;
	(pc) =	sbr.rel @p1 .LBB2_9-.Ltmp3, $4  }
0x13b: {  	v60 =	vmul.f32 v60, v9;
	v54 =	vld.idx.msk [tilespmem:v3+s9+$0x20 ss:$0x1], $0xffff;
	[tilespmem:v17+s20+$0x60 ss:$0x1] =	vst.idx.msk $0xffff, v48;
	v48 =	vmul.f32 v43, v39  }
0x13c: {  	v47 =	vmul.f32 v43, v47;
	v58 =	vmul.f32 v61, v27;
	v39 =	vld.idx.msk [tilespmem:v5+s9+$0x70 ss:$0x1], $0xffff;
	[tilespmem:v17+s20+$0x70 ss:$0x1] =	vst.idx.msk $0xffff, v51  }
0x13d: {  	v56 =	vadd.f32 v55, v56;
	v52 =	vand.u32 $0xFFFFFFFE, v40;
	v4 =	vmovc v42;
	v49 =	vadd.f32 v60, v45;
	v55 =	vld.idx.msk [tilespmem:v3+s9+$0x70 ss:$0x1], $0xffff;
	s30 =	spop (v2sf)  }
0x13e: {  	s28 =	sadd.s32 $0x400, s28;
	v51 =	vmul.f32 v43, v59;
	v58 =	vadd.f32 v58, v62;
	v57 =	vmul.f32 v57, v34;
	v40 =	vld.idx.msk [tilespmem:v5+s9+$0x30 ss:$0x1], $0xffff;
	s17 =	smul.f32 $2.000000030e-01, s30  }
0x13f: {  	_ =	sdelay $0x3  }
0x140: {  	v3 =	vld.idx.msk [tilespmem:v3+s9+$0x30 ss:$0x1], $0xffff  }
0x141: {  	v5 =	vadd.f32 v53, v46;
	v42 =	vadd.f32 v56, v58;
	_ =	sdelay $0x1  }
0x142: {  	v41 =	vmul.f32 v41, v37;
	v5 =	vadd.f32 v42, v5  }
0x143: {  	v35 =	vmul.f32 v35, v36;
	v62 =	vmul.f32 v54, v31  }
0x144: {  	v45 =	vmul.f32 v55, v39;
	(xrf2) =	vadd.scan.msk.f32 $0xffff, v5;
	v3 =	vmul.f32 v3, v40  }
0x145: {  	v63 =	vadd.f32 v41, v57  }
0x146: {  	v35 =	vadd.f32 v45, v35;
	v3 =	vadd.f32 v3, v62;
	_ =	sdelay $0x1  }
0x147: {  	v5 =	vadd.f32 v35, v63;
	v3 =	vadd.f32 v3, v49;
	_ =	sdelay $0x1  }
0x148: {  	v3 =	vadd.f32 v5, v3;
	_ =	sdelay $0x1  }
0x149: {  	(xrf2) =	vadd.scan.msk.f32 $0xffff, v3;
	_ =	sdelay $0x1  }
0x14a: {  	s14 =	smax.f32 s30, s17;
	v3, _, _ =	vpop (xrf2)  }
0x14b: {  	(v2sf) =	vpush v3, $0xF;
	v3 =	vmov s14  }
0x14c: {  	v3 =	vmul.f32 $1.442695020e+00, v3;
	_ =	sdelay $0x1  }
0x14d: {  	v3 =	vbroadcast v3, $0x0;
	_ =	sdelay $0x1  }
0x14e: {  	s29 =	spop (v2sf)  }
0x14f: {  	s30 =	smul.f32 $2.000000030e-01, s29  }
0x150: {  	(erf) = vpow2.f32 v3;
	v3, _, _ =	vpop (xrf2)  }
0x151: {  	s14 =	smax.f32 s29, s30;
	(v2sf) =	vpush v3, $0xF  }
0x152: {  	v35 =	vmov s14  }
0x153: {  	v2 =	vmul.f32 v43, v2;
	v3 =	vmul.f32 $1.442695020e+00, v35  }
0x154: {  	[tilespmem:v17+s20+$0x80 ss:$0x1] =	vst.idx.msk $0xffff, v50  }
0x155: {  	[tilespmem:v17+s20+$0x90 ss:$0x1] =	vst.idx.msk $0xffff, v2;
	v2 =	vbroadcast v3, $0x0  }
0x156: {  	s26 =	sadd.s32 $0x1, s25;
	[tilespmem:v17+s20+$0xA0 ss:$0x1] =	vst.idx.msk $0xffff, v47  }
0x157: {  	s28 =	sadd.s32 s23, s24;
	v41 =	vmov s26;
	[tilespmem:v17+s20+$0xB0 ss:$0x1] =	vst.idx.msk $0xffff, v48;
	v3 =	vbroadcast v52, $0x0;
	(erf) = vpow2.f32 v2  }
0x158: {  	p1 =	slt.u32 s28, $0x4E200;
	[tilespmem:v17+s20+$0xC0 ss:$0x1] =	vst.idx.msk $0xffff, v51;
	s14 =	simm.f32 $1.000000000e+00;
	v2 =	vmul.f32 v43, v25  }
0x159: {  	v23 =	vmul.f32 v43, v23;
	[tilespmem:v17+s20+$0xD0 ss:$0x1] =	vst.idx.msk $0xffff, v44;
	s14 =	simm.s32 @!p1 $0x0;
	v42 =	vpop (erf);
	s29 =	spop (v2sf)  }
0x15a: {  	[tilespmem:v17+s20+$0xE0 ss:$0x1] =	vst.idx.msk $0xffff, v2;
	v2 =	vmul.f32 s14, v42;
	s30 =	smul.f32 $2.000000030e-01, s29  }
0x15b: {  	[tilespmem:v17+s20+$0xF0 ss:$0x1] =	vst.idx.msk $0xffff, v23  }
0x15c: {  	[tilespmem:v41+s21+$0x0] =	vst.idx.msk $0x1, v43;
	v44 =	vmul.f32 v2, v22;
	s17 =	smax.f32 s29, s30  }
0x15d: {  	[tilespmem:v3+s21+$0x0] =	vst.idx.msk $0x1, v38;
	v3 =	vmul.f32 v2, v20;
	v45 =	vmov s17  }
0x15e: {  	v46 =	vmul.f32 v2, v15;
	[tilespmem:v17+s19+$0x0 ss:$0x1] =	vst.idx.msk $0xffff, v44;
	v47 =	vmul.f32 $1.442695020e+00, v45  }
0x15f: {  	v16 =	vmul.f32 v2, v16;
	[tilespmem:v17+s19+$0x10 ss:$0x1] =	vst.idx.msk $0xffff, v3  }
0x160: {  	v3 =	vmul.f32 v2, v19;
	[tilespmem:v17+s19+$0x20 ss:$0x1] =	vst.idx.msk $0xffff, v46;
	v48 =	vpop (erf);
	v15 =	vbroadcast v47, $0x0;
	s20 =	spop (v2sf)  }
0x161: {  	v14 =	vmul.f32 v2, v14;
	[tilespmem:v17+s19+$0x30 ss:$0x1] =	vst.idx.msk $0xffff, v16;
	v5 =	vmul.f32 s14, v48;
	s25 =	smul.f32 $2.000000030e-01, s20  }
0x162: {  	[tilespmem:v17+s19+$0x40 ss:$0x1] =	vst.idx.msk $0xffff, v3;
	v3 =	vmul.f32 v2, v13;
	(erf) = vpow2.f32 v15  }
0x163: {  	v12 =	vmul.f32 v2, v12;
	[tilespmem:v17+s19+$0x50 ss:$0x1] =	vst.idx.msk $0xffff, v14;
	s14 =	smax.f32 s20, s25  }
0x164: {  	v4 =	vmul.f32 v5, v4;
	[tilespmem:v17+s19+$0x60 ss:$0x1] =	vst.idx.msk $0xffff, v3;
	v3 =	vmov s14  }
0x165: {  	v1 =	vmul.f32 v5, v1;
	[tilespmem:v17+s19+$0x70 ss:$0x1] =	vst.idx.msk $0xffff, v12;
	v3 =	vmul.f32 $1.442695020e+00, v3  }
0x166: {  	v7 =	vmul.f32 v5, v7;
	[tilespmem:v17+s19+$0x80 ss:$0x1] =	vst.idx.msk $0xffff, v4  }
0x167: {  	v49 =	vmov s23;
	v50 =	vmul.f32 v5, v18;
	[tilespmem:v17+s19+$0x90 ss:$0x1] =	vst.idx.msk $0xffff, v1;
	v3 =	vbroadcast v3, $0x0  }
0x168: {  	s26 =	sadd.s32 $0x1, s23;
	v51 =	vmul.f32 v5, v11;
	v1 =	vand.u32 $0xFFFFFFFE, v49;
	[tilespmem:v17+s19+$0xA0 ss:$0x1] =	vst.idx.msk $0xffff, v7  }
0x169: {  	s28 =	sadd.s32 s22, s24;
	v53 =	vmov s26;
	v52 =	vmul.f32 v5, v8;
	v1 =	vbroadcast v1, $0x0;
	[tilespmem:v17+s19+$0xB0 ss:$0x1] =	vst.idx.msk $0xffff, v50  }
0x16a: {  	p1 =	slt.u32 s28, $0x4E200;
	v10 =	vmul.f32 v5, v10;
	s14 =	simm.f32 $1.000000000e+00;
	[tilespmem:v17+s19+$0xC0 ss:$0x1] =	vst.idx.msk $0xffff, v51;
	(erf) = vpow2.f32 v3  }
0x16b: {  	v54 =	vmul.f32 v5, v6;
	s14 =	simm.s32 @!p1 $0x0;
	[tilespmem:v17+s19+$0xD0 ss:$0x1] =	vst.idx.msk $0xffff, v52;
	v3 =	vpop (erf)  }
0x16c: {  	[tilespmem:v17+s19+$0xE0 ss:$0x1] =	vst.idx.msk $0xffff, v10;
	v3 =	vmul.f32 s14, v3  }
0x16d: {  	[tilespmem:v17+s19+$0xF0 ss:$0x1] =	vst.idx.msk $0xffff, v54  }
0x16e: {  	[tilespmem:v53+s21+$0x0] =	vst.idx.msk $0x1, v5;
	v55 =	vmul.f32 v3, v28  }
0x16f: {  	[tilespmem:v1+s21+$0x0] =	vst.idx.msk $0x1, v2;
	v1 =	vmul.f32 v3, v24  }
0x170: {  	v2 =	vmul.f32 v3, v33;
	[tilespmem:v17+s9+$0x0 ss:$0x1] =	vst.idx.msk $0xffff, v55  }
0x171: {  	v56 =	vmul.f32 v3, v32;
	[tilespmem:v17+s9+$0x10 ss:$0x1] =	vst.idx.msk $0xffff, v1  }
0x172: {  	v1 =	vmul.f32 v3, v26;
	[tilespmem:v17+s9+$0x20 ss:$0x1] =	vst.idx.msk $0xffff, v2  }
0x173: {  	v2 =	vmul.f32 v3, v27;
	v57 =	vpop (erf);
	[tilespmem:v17+s9+$0x30 ss:$0x1] =	vst.idx.msk $0xffff, v56  }
0x174: {  	v4 =	vmul.f32 s14, v57;
	[tilespmem:v17+s9+$0x40 ss:$0x1] =	vst.idx.msk $0xffff, v1;
	v1 =	vmul.f32 v3, v30  }
0x175: {  	v58 =	vmul.f32 v3, v29;
	[tilespmem:v17+s9+$0x50 ss:$0x1] =	vst.idx.msk $0xffff, v2  }
0x176: {  	v2 =	vmul.f32 v4, v21;
	[tilespmem:v17+s9+$0x60 ss:$0x1] =	vst.idx.msk $0xffff, v1  }
0x177: {  	v1 =	vmul.f32 v4, v9;
	[tilespmem:v17+s9+$0x70 ss:$0x1] =	vst.idx.msk $0xffff, v58  }
0x178: {  	v59 =	vmul.f32 v4, v31;
	[tilespmem:v17+s9+$0x80 ss:$0x1] =	vst.idx.msk $0xffff, v2  }
0x179: {  	v60 =	vmul.f32 v4, v40;
	v2 =	vmov s22;
	[tilespmem:v17+s9+$0x90 ss:$0x1] =	vst.idx.msk $0xffff, v1  }
0x17a: {  	s29 =	sadd.s32 $0x1, s22;
	v1 =	vand.u32 $0xFFFFFFFE, v2;
	v2 =	vmul.f32 v4, v34;
	[tilespmem:v17+s9+$0xA0 ss:$0x1] =	vst.idx.msk $0xffff, v59  }
0x17b: {  	v62 =	vmov s29;
	v61 =	vmul.f32 v4, v37;
	v1 =	vbroadcast v1, $0x0;
	[tilespmem:v17+s9+$0xB0 ss:$0x1] =	vst.idx.msk $0xffff, v60  }
0x17c: {  	v63 =	vmul.f32 v4, v36;
	[tilespmem:v17+s9+$0xC0 ss:$0x1] =	vst.idx.msk $0xffff, v2  }
0x17d: {  	v2 =	vmul.f32 v4, v39;
	[tilespmem:v17+s9+$0xD0 ss:$0x1] =	vst.idx.msk $0xffff, v61  }
0x17e: {  	s30 =	sshll.u32 s18, $0x7;
	s18 =	sadd.s32 $0x1, s18;
	[tilespmem:v17+s9+$0xE0 ss:$0x1] =	vst.idx.msk $0xffff, v63  }
0x17f: {  	p1 =	sne.s32 s18, $0xD1;
	[tilespmem:v17+s9+$0xF0 ss:$0x1] =	vst.idx.msk $0xffff, v2  }
.Ltmp4:
0x180: {  	s9 =	sand.u32 $0x180, s30;
	[tilespmem:v62+s21+$0x0] =	vst.idx.msk $0x1, v4;
	(pc) =	sbr.rel @p1 .LBB2_8-.Ltmp4, $4  }
0x181: {  	[tilespmem:v1+s21+$0x0] =	vst.idx.msk $0x1, v3;
	s9 =	sor.u32 $0xAA00, s9  }
0x182: {  	[spmem:s1] =	stream.indirect.scatter.add.f32 [tilespmem:s10], [sflag:$0x2], $0x80, s9, s11, $0xb8;
	[tilespmem:$0x1EAF8] =	vst v63  }
0x183: {  	s16 =	sadd.s32 $0x1800, s16;
	s24 =	sadd.s32 $0x30, s24  }
0x184: {  	[spmem:s3] =	stream.indirect.scatter.add.f32 [tilespmem:s21], [sflag:$0x2], $0x1, s9, s11, $0xb8;
	[tilespmem:$0x1EAF8] =	vst v63  }
0x185: {  	_ =	swait.ge [sflag:s13], $0x1800  }
0x186: {  	[sflag:s13] =	ssyncset.done $0x0  }
0x187: {  	[sflag:s13] =	ssyncadd.s32 $0xFFFFE800  }
0x188: {  	_ =	swait.ge [sflag:s13], $0x30  }
0x189: {  	[sflag:s13] =	ssyncset.done $0x0  }
0x18a: {  	[sflag:s13] =	ssyncadd.s32 $0xFFFFFFD0  }
0x18b: {  	_ =	swait.ge [sflag:s13], $0x1800  }
0x18c: {  	[sflag:s13] =	ssyncset.done $0x0  }
0x18d: {  	[sflag:s13] =	ssyncadd.s32 $0xFFFFE800  }
0x18e: {  	_ =	swait.ge [sflag:s13], $0x30  }
0x18f: {  	[sflag:s13] =	ssyncset.done $0x0  }
0x190: {  	[sflag:s13] =	ssyncadd.s32 $0xFFFFFFD0  }
0x191: {  	s9 =	stileid.u32;
	[bflag:$0x0] =	sbarrier.arrive $0xFFFF  }
0x192: {  	s9 =	sshll.u32 s9, $0x6;
	s17 =	rddreg [dreg:$0xa]  }
0x193: {  	s9 =	sor.u32 $0x1C04, s9;
	s14 =	rddreg [dreg:$0x9];
	s10 =	sshrl.u32 s17, $0x3  }
0x194: {  	[hbm:s14], [sflag:s9] =	dma.local [spmem:s10], $0x2800  }
0x195: {  	s15 =	simm.s32 @!p0 $0x20;
	_ =	swait.ge [sflag:s2], $0x2800  }
0x196: {  	s16 =	simm.s32 @!p0 $0x10;
	s10 =	sshrl.u32 @!p0 s3, $0x3;
	[sflag:s2] =	ssyncset.done $0x0  }
0x197: {  	s14 =	simm.s32 @!p0 $0x1;
	s18 =	rddreg [dreg:$0xb];
	[sflag:s2] =	ssyncadd.s32 $0xFFFFD800  }
0x198: {  	[hbm:s18@s15], [sflag:s9] =	dma.strided @!p0 [spmem:s10@s16], $0x4F0, s14, $0x10   }
0x199: {  	s9 =	simm.s32 @!p0 $0x4  }
0x19a: {  	_ =	swait.ge @!p0 [sflag:s9], $0x4F0  }
0x19b: {  	s5 =	sadd.s32 $0x1, s5;
	s30 =	rddreg [dreg:$0xc]  }
0x19c: {  	p1 =	sne.s32 s5, s30  }
.Ltmp5:
0x19d: {  	_ = 	snop;
	(pc) =	sbr.rel @p1 .LBB2_1-.Ltmp5, $3  }
0x19e: {  	_ =	sdelay $0x1  }
0x19f: {  	[sflag:s9] =	ssyncset.done @!p0 $0x0  }
0x1a0: {  	[sflag:s9] =	ssyncadd.s32 @!p0 $0xFFFFFB10  }
0x1a1: {  	_ =	sfence.sel $0x180000  }
0x1a2: {  	[bflag:$0x0] =	sbarrier.arrive $0xFFFF  }
0x1a3: {  	_ =	strace $0x90000047  }
0x1a4: {  	[bflag:$0x2] =	sbarrier.arrive $0xFFFF  }
0x1a5: {  	s0 =	rddreg [dreg:$0x4]  }
0x1a6: {  	s0 =	sadd.s32 @!p0 $0x100000, s0  }
0x1a7: {  	[sflag:s0] =	ssyncadd.tile.s32 @!p0 $0x1;
	_ =	shalt  }
.Lfunc_end2:
_tile_overlayer_lowered:
.L_overlay_start_2:
0x1a8: {  	(tag) =	ssettag $0x2  }
0x1a9: {  	s0 =	rddreg [dreg:$0x0];
	s2 =	stileid.u32  }
0x1aa: {  	s1 =	rddreg [dreg:$0x1];
	p0 =	sne.s32 s2, $0x0  }
0x1ab: {  	s3 =	rddreg [dreg:$0x2];
	[bflag:$0x3] =	sbarrier.arrive $0xFFFF;
	s2 =	simm.s32 @!p0 $0x1C04  }
0x1ac: {  	[timem:s3], [sflag:s2] =	dma.local @!p0 [hbm:s0], s1  }
0x1ad: {  	s0 =	simm.s32 @!p0 $0x4  }
0x1ae: {  	_ =	swait.ge @!p0 [sflag:s0], s1  }
0x1af: {  	s1 =	ssub.s32 @!p0 $0x0, s1;
	[sflag:s0] =	ssyncset.done @!p0 $0x0  }
0x1b0: {  	[sflag:s0] =	ssyncadd.s32 @!p0 s1  }
0x1b1: {  	[bflag:$0x3] =	sbarrier.arrive $0xFFFF  }
0x1b2: {  	_ =	shalt  }

</sc_bundles>
